<compile_context>
chip_gen: v7x
topology: tpu7x:2x2x1
jax: 0.10.2.dev20260603
libtpu: 0.0.44.dev20260713+nightly
codegen_flags: <defaults>
</compile_context>

<pallas_src>
import functools

import jax
import jax.numpy as jnp
from jax import lax
from jax.experimental import pallas as pl
from jax.experimental.pallas import tpu as pltpu
from jax.experimental.pallas import tpu_sc as plsc

GAMMA = 12.0
B = 16384
DIM = 128
NC = 2
NS = 16
L = 16
NW = NC * NS
BPW = B // NW
C = 64
NCH = BPW // C
G = DIM // L


def _sc_score(heads, rels, tails, entity, relation):
    mesh = plsc.VectorSubcoreMesh(core_axis_name="c", subcore_axis_name="s")

    @functools.partial(
        pl.kernel,
        mesh=mesh,
        compiler_params=pltpu.CompilerParams(needs_layout_passes=False),
        out_type=jax.ShapeDtypeStruct((B,), jnp.float32),
        scratch_types=[
            pltpu.VMEM((BPW,), jnp.int32),
            pltpu.VMEM((BPW,), jnp.int32),
            pltpu.VMEM((BPW,), jnp.int32),
            pltpu.VMEM((2, C, DIM), jnp.float32),
            pltpu.VMEM((2, C, DIM), jnp.float32),
            pltpu.VMEM((2, C, DIM), jnp.float32),
            pltpu.VMEM((L * L,), jnp.float32),
            pltpu.VMEM((BPW,), jnp.float32),
            pltpu.SemaphoreType.DMA((2,)),
            pltpu.SemaphoreType.DMA,
        ],
    )
    def body(heads_hbm, rels_hbm, tails_hbm, ent_hbm, rel_hbm, out_hbm,
             h_idx, r_idx, t_idx, h_buf, r_buf, t_buf, tr, scores,
             sem, sem_i):
        wid = lax.axis_index("s") * NC + lax.axis_index("c")
        base = wid * BPW
        lane = lax.iota(jnp.int32, L)

        ci = pltpu.async_copy(heads_hbm.at[pl.ds(base, BPW)], h_idx, sem_i)
        cr = pltpu.async_copy(rels_hbm.at[pl.ds(base, BPW)], r_idx, sem_i)
        ct = pltpu.async_copy(tails_hbm.at[pl.ds(base, BPW)], t_idx, sem_i)
        ci.wait()
        cr.wait()
        ct.wait()

        def fire(c, slot):
            sl = pl.ds(c * C, C)
            pltpu.async_copy(ent_hbm.at[h_idx.at[sl]], h_buf.at[slot], sem.at[slot])
            pltpu.async_copy(rel_hbm.at[r_idx.at[sl]], r_buf.at[slot], sem.at[slot])
            pltpu.async_copy(ent_hbm.at[t_idx.at[sl]], t_buf.at[slot], sem.at[slot])

        def wait_slot(slot):
            sl = pl.ds(0, C)
            for buf in (h_buf, r_buf, t_buf):
                pltpu.make_async_copy(
                    ent_hbm.at[h_idx.at[sl]], buf.at[slot], sem.at[slot]
                ).wait()

        fire(0, 0)

        def chunk_body(c, carry):
            slot = lax.rem(c, 2)

            @pl.when(c + 1 < NCH)
            def _():
                fire(c + 1, lax.rem(c + 1, 2))

            wait_slot(slot)

            def grp_body(g2, carry2):
                r0 = g2 * L

                def row_body(j, carry3):
                    acc = jnp.zeros((L,), jnp.float32)
                    for g in range(G):
                        h = h_buf[slot, r0 + j, pl.ds(g * L, L)]
                        r = r_buf[slot, r0 + j, pl.ds(g * L, L)]
                        t = t_buf[slot, r0 + j, pl.ds(g * L, L)]
                        acc = acc + jnp.abs(h + r - t)
                    tr[pl.ds(j * L, L)] = acc
                    return carry3

                lax.fori_loop(0, L, row_body, 0)
                sv = jnp.zeros((L,), jnp.float32)
                for i in range(L):
                    sv = sv + plsc.load_gather(tr, [lane * L + i])
                scores[pl.ds(c * C + r0, L)] = GAMMA - sv
                return carry2

            lax.fori_loop(0, C // L, grp_body, 0)
            return carry

        lax.fori_loop(0, NCH, chunk_body, 0)

        pltpu.sync_copy(scores, out_hbm.at[pl.ds(base, BPW)])

    return body(heads, rels, tails, entity, relation)


def kernel(sample, entity_embedding, relation_embedding):
    heads = sample[:, 0]
    rels = sample[:, 1]
    tails = sample[:, 2]
    scores = _sc_score(heads, rels, tails, entity_embedding, relation_embedding)
    return scores.reshape(B, 1)

# --- scband reference (transcript-rebuilt; emitter-appended) ---
"""Pipeline reference for scband-kgemodel-34333968564898 (READ-ONLY COPY).

The authoritative reference and input builder live on the scoring server;
editing this copy changes nothing except your own understanding.
"""

import jax, jax.numpy as jnp
import numpy as np

NENTITY = 1000000
NRELATION = 100000
DIM = 128
B = 16384
GAMMA = 12.0
EPSILON = 2.0
EMB_RANGE = (GAMMA + EPSILON) / DIM


def setup_inputs(seed: int = 0) -> dict:
    key = jax.random.key(seed)
    k1, k2, k3 = jax.random.split(key, 3)
    # sample: (head, relation, tail) index triples; all in [0, NRELATION) so they
    # are valid for both the relation table and the (larger) entity table.
    sample = jax.random.randint(k1, (B, 3), 0, NRELATION, dtype=jnp.int32)
    entity_embedding = jax.random.uniform(
        k2, (NENTITY, DIM), minval=-EMB_RANGE, maxval=EMB_RANGE, dtype=jnp.float32
    )
    relation_embedding = jax.random.uniform(
        k3, (NRELATION, DIM), minval=-EMB_RANGE, maxval=EMB_RANGE, dtype=jnp.float32
    )
    return {
        "sample": sample,
        "entity_embedding": entity_embedding,
        "relation_embedding": relation_embedding,
    }


def reference(sample, entity_embedding, relation_embedding):
    # mode == 'single', model_name == 'TransE', use_embedding_table == False
    head = jnp.take(entity_embedding, sample[:, 0], axis=0)[:, None, :]
    relation = jnp.take(relation_embedding, sample[:, 1], axis=0)[:, None, :]
    tail = jnp.take(entity_embedding, sample[:, 2], axis=0)[:, None, :]
    score = head + relation - tail
    score = GAMMA - jnp.sum(jnp.abs(score), axis=2)  # L1 norm along dim 2
    return score  # shape [B, 1]

if __name__ == "__main__":
    import jax
    _d = setup_inputs()
    print(jax.jit(kernel)(*tuple(_d.values())))

</pallas_src>

<mosaic_0001>
#map = affine_map<(d0, d1) -> (0)>
#map1 = affine_map<(d0, d1) -> (0, 0)>
module attributes {stable_mosaic.version = 14 : i64} {
  func.func @body(%arg0: i32, %arg1: i32, %arg2: memref<16384xi32, #tpu.memory_space<hbm>>, %arg3: memref<16384xi32, #tpu.memory_space<hbm>>, %arg4: memref<16384xi32, #tpu.memory_space<hbm>>, %arg5: memref<1000000x128xf32, #tpu.memory_space<hbm>>, %arg6: memref<100000x128xf32, #tpu.memory_space<hbm>>, %arg7: memref<16384xf32, #tpu.memory_space<hbm>>, %arg8: memref<512xi32, #tpu.memory_space<vmem>>, %arg9: memref<512xi32, #tpu.memory_space<vmem>>, %arg10: memref<512xi32, #tpu.memory_space<vmem>>, %arg11: memref<2x64x128xf32, #tpu.memory_space<vmem>>, %arg12: memref<2x64x128xf32, #tpu.memory_space<vmem>>, %arg13: memref<2x64x128xf32, #tpu.memory_space<vmem>>, %arg14: memref<256xf32, #tpu.memory_space<vmem>>, %arg15: memref<512xf32, #tpu.memory_space<vmem>>, %arg16: memref<2x!tpu.dma_semaphore, #tpu.memory_space<semaphore_mem>>, %arg17: memref<!tpu.dma_semaphore, #tpu.memory_space<semaphore_mem>>) attributes {dimension_semantics = [#tpu.dimension_semantics<core_parallel>, #tpu.dimension_semantics<subcore_parallel>], iteration_bounds = array<i64: 2, 16>, scalar_prefetch = 0 : i64, scratch_operands = 10 : i64, tpu.core_type = #tpu.core_type<sc_vector_subcore>, window_params = [{transform_indices = #map}, {transform_indices = #map}, {transform_indices = #map}, {transform_indices = #map1}, {transform_indices = #map1}, {transform_indices = #map}]} {
    %mul3A = arith.constant 2 : i32
    %mul3A_0 = arith.muli %arg1, %mul3A : i32
    %add3A = arith.addi %mul3A_0, %arg0 : i32
    %mul3A_1 = arith.constant 512 : i32
    %mul3A_2 = arith.muli %add3A, %mul3A_1 : i32
    %iota3A = tpu.iota {dimensions = array<i32: 0>} : vector<16xi32>
    %dma_start3A = tpu.memref_slice %arg2[%mul3A_2] : memref<16384xi32, #tpu.memory_space<hbm>> -> memref<512xi32, #tpu.memory_space<hbm>>
    %dma_start3A_3 = tpu.memref_slice %arg2[%mul3A_2] : memref<16384xi32, #tpu.memory_space<hbm>> -> memref<512xi32, #tpu.memory_space<hbm>>
    tpu.enqueue_dma source(%dma_start3A_3 : memref<512xi32, #tpu.memory_space<hbm>>) target(%arg8 : memref<512xi32, #tpu.memory_space<vmem>>) target_semaphore(%arg17 : memref<!tpu.dma_semaphore, #tpu.memory_space<semaphore_mem>>)
    %dma_start3A_4 = tpu.memref_slice %arg3[%mul3A_2] : memref<16384xi32, #tpu.memory_space<hbm>> -> memref<512xi32, #tpu.memory_space<hbm>>
    %dma_start3A_5 = tpu.memref_slice %arg3[%mul3A_2] : memref<16384xi32, #tpu.memory_space<hbm>> -> memref<512xi32, #tpu.memory_space<hbm>>
    tpu.enqueue_dma source(%dma_start3A_5 : memref<512xi32, #tpu.memory_space<hbm>>) target(%arg9 : memref<512xi32, #tpu.memory_space<vmem>>) target_semaphore(%arg17 : memref<!tpu.dma_semaphore, #tpu.memory_space<semaphore_mem>>)
    %dma_start3A_6 = tpu.memref_slice %arg4[%mul3A_2] : memref<16384xi32, #tpu.memory_space<hbm>> -> memref<512xi32, #tpu.memory_space<hbm>>
    %dma_start3A_7 = tpu.memref_slice %arg4[%mul3A_2] : memref<16384xi32, #tpu.memory_space<hbm>> -> memref<512xi32, #tpu.memory_space<hbm>>
    tpu.enqueue_dma source(%dma_start3A_7 : memref<512xi32, #tpu.memory_space<hbm>>) target(%arg10 : memref<512xi32, #tpu.memory_space<vmem>>) target_semaphore(%arg17 : memref<!tpu.dma_semaphore, #tpu.memory_space<semaphore_mem>>)
    %dma_wait3A = tpu.memref_slice %arg2[%mul3A_2] : memref<16384xi32, #tpu.memory_space<hbm>> -> memref<512xi32, #tpu.memory_space<hbm>>
    %dma_wait3A_8 = tpu.memref_slice %arg2[%mul3A_2] : memref<16384xi32, #tpu.memory_space<hbm>> -> memref<512xi32, #tpu.memory_space<hbm>>
    tpu.wait_dma2 semaphore(%arg17 : memref<!tpu.dma_semaphore, #tpu.memory_space<semaphore_mem>>) src(%dma_wait3A_8 : memref<512xi32, #tpu.memory_space<hbm>>) dst(%arg8 : memref<512xi32, #tpu.memory_space<vmem>>)
    %dma_wait3A_9 = tpu.memref_slice %arg3[%mul3A_2] : memref<16384xi32, #tpu.memory_space<hbm>> -> memref<512xi32, #tpu.memory_space<hbm>>
    %dma_wait3A_10 = tpu.memref_slice %arg3[%mul3A_2] : memref<16384xi32, #tpu.memory_space<hbm>> -> memref<512xi32, #tpu.memory_space<hbm>>
    tpu.wait_dma2 semaphore(%arg17 : memref<!tpu.dma_semaphore, #tpu.memory_space<semaphore_mem>>) src(%dma_wait3A_10 : memref<512xi32, #tpu.memory_space<hbm>>) dst(%arg9 : memref<512xi32, #tpu.memory_space<vmem>>)
    %dma_wait3A_11 = tpu.memref_slice %arg4[%mul3A_2] : memref<16384xi32, #tpu.memory_space<hbm>> -> memref<512xi32, #tpu.memory_space<hbm>>
    %dma_wait3A_12 = tpu.memref_slice %arg4[%mul3A_2] : memref<16384xi32, #tpu.memory_space<hbm>> -> memref<512xi32, #tpu.memory_space<hbm>>
    tpu.wait_dma2 semaphore(%arg17 : memref<!tpu.dma_semaphore, #tpu.memory_space<semaphore_mem>>) src(%dma_wait3A_12 : memref<512xi32, #tpu.memory_space<hbm>>) dst(%arg10 : memref<512xi32, #tpu.memory_space<vmem>>)
    %dma_start3A_13 = arith.constant 0 : i32
    %dma_start3A_14 = arith.constant 0 : i32
    %dma_start3A_15 = arith.constant 0 : i32
    %dma_start3A_16 = arith.constant 0 : i32
    %dma_start3A_17 = tpu.memref_slice %arg11[%dma_start3A_13, %dma_start3A_15, %dma_start3A_16] : memref<2x64x128xf32, #tpu.memory_space<vmem>> -> memref<1x64x128xf32, #tpu.memory_space<vmem>>
    %dma_start3A_18 = tpu.memref_squeeze %dma_start3A_17 : memref<1x64x128xf32, #tpu.memory_space<vmem>> -> memref<64x128xf32, #tpu.memory_space<vmem>>
    %dma_start3A_19 = arith.constant 0 : i32
    %dma_start3A_20 = tpu.memref_slice %arg8[%dma_start3A_19] : memref<512xi32, #tpu.memory_space<vmem>> -> memref<64xi32, #tpu.memory_space<vmem>>
    %dma_start3A_21 = arith.constant 0 : i32
    %dma_start3A_22 = arith.constant 0 : i32
    %dma_start3A_23 = tpu.memref_slice %arg5[%dma_start3A_21, %dma_start3A_22] : memref<1000000x128xf32, #tpu.memory_space<hbm>> -> memref<1000000x128xf32, #tpu.memory_space<hbm>>
    %dma_start3A_24 = tpu.memref_slice %arg16[%dma_start3A_14] : memref<2x!tpu.dma_semaphore, #tpu.memory_space<semaphore_mem>> -> memref<1x!tpu.dma_semaphore, #tpu.memory_space<semaphore_mem>>
    %dma_start3A_25 = tpu.memref_squeeze %dma_start3A_24 : memref<1x!tpu.dma_semaphore, #tpu.memory_space<semaphore_mem>> -> memref<!tpu.dma_semaphore, #tpu.memory_space<semaphore_mem>>
    tpu.enqueue_indirect_dma source(%dma_start3A_23 : memref<1000000x128xf32, #tpu.memory_space<hbm>>) target(%dma_start3A_18 : memref<64x128xf32, #tpu.memory_space<vmem>>) offsets(%dma_start3A_20 : memref<64xi32, #tpu.memory_space<vmem>>) semaphore(%dma_start3A_25 : memref<!tpu.dma_semaphore, #tpu.memory_space<semaphore_mem>>)
    %dma_start3A_26 = arith.constant 0 : i32
    %dma_start3A_27 = arith.constant 0 : i32
    %dma_start3A_28 = arith.constant 0 : i32
    %dma_start3A_29 = arith.constant 0 : i32
    %dma_start3A_30 = tpu.memref_slice %arg12[%dma_start3A_26, %dma_start3A_28, %dma_start3A_29] : memref<2x64x128xf32, #tpu.memory_space<vmem>> -> memref<1x64x128xf32, #tpu.memory_space<vmem>>
    %dma_start3A_31 = tpu.memref_squeeze %dma_start3A_30 : memref<1x64x128xf32, #tpu.memory_space<vmem>> -> memref<64x128xf32, #tpu.memory_space<vmem>>
    %dma_start3A_32 = arith.constant 0 : i32
    %dma_start3A_33 = tpu.memref_slice %arg9[%dma_start3A_32] : memref<512xi32, #tpu.memory_space<vmem>> -> memref<64xi32, #tpu.memory_space<vmem>>
    %dma_start3A_34 = arith.constant 0 : i32
    %dma_start3A_35 = arith.constant 0 : i32
    %dma_start3A_36 = tpu.memref_slice %arg6[%dma_start3A_34, %dma_start3A_35] : memref<100000x128xf32, #tpu.memory_space<hbm>> -> memref<100000x128xf32, #tpu.memory_space<hbm>>
    %dma_start3A_37 = tpu.memref_slice %arg16[%dma_start3A_27] : memref<2x!tpu.dma_semaphore, #tpu.memory_space<semaphore_mem>> -> memref<1x!tpu.dma_semaphore, #tpu.memory_space<semaphore_mem>>
    %dma_start3A_38 = tpu.memref_squeeze %dma_start3A_37 : memref<1x!tpu.dma_semaphore, #tpu.memory_space<semaphore_mem>> -> memref<!tpu.dma_semaphore, #tpu.memory_space<semaphore_mem>>
    tpu.enqueue_indirect_dma source(%dma_start3A_36 : memref<100000x128xf32, #tpu.memory_space<hbm>>) target(%dma_start3A_31 : memref<64x128xf32, #tpu.memory_space<vmem>>) offsets(%dma_start3A_33 : memref<64xi32, #tpu.memory_space<vmem>>) semaphore(%dma_start3A_38 : memref<!tpu.dma_semaphore, #tpu.memory_space<semaphore_mem>>)
    %dma_start3A_39 = arith.constant 0 : i32
    %dma_start3A_40 = arith.constant 0 : i32
    %dma_start3A_41 = arith.constant 0 : i32
    %dma_start3A_42 = arith.constant 0 : i32
    %dma_start3A_43 = tpu.memref_slice %arg13[%dma_start3A_39, %dma_start3A_41, %dma_start3A_42] : memref<2x64x128xf32, #tpu.memory_space<vmem>> -> memref<1x64x128xf32, #tpu.memory_space<vmem>>
    %dma_start3A_44 = tpu.memref_squeeze %dma_start3A_43 : memref<1x64x128xf32, #tpu.memory_space<vmem>> -> memref<64x128xf32, #tpu.memory_space<vmem>>
    %dma_start3A_45 = arith.constant 0 : i32
    %dma_start3A_46 = tpu.memref_slice %arg10[%dma_start3A_45] : memref<512xi32, #tpu.memory_space<vmem>> -> memref<64xi32, #tpu.memory_space<vmem>>
    %dma_start3A_47 = arith.constant 0 : i32
    %dma_start3A_48 = arith.constant 0 : i32
    %dma_start3A_49 = tpu.memref_slice %arg5[%dma_start3A_47, %dma_start3A_48] : memref<1000000x128xf32, #tpu.memory_space<hbm>> -> memref<1000000x128xf32, #tpu.memory_space<hbm>>
    %dma_start3A_50 = tpu.memref_slice %arg16[%dma_start3A_40] : memref<2x!tpu.dma_semaphore, #tpu.memory_space<semaphore_mem>> -> memref<1x!tpu.dma_semaphore, #tpu.memory_space<semaphore_mem>>
    %dma_start3A_51 = tpu.memref_squeeze %dma_start3A_50 : memref<1x!tpu.dma_semaphore, #tpu.memory_space<semaphore_mem>> -> memref<!tpu.dma_semaphore, #tpu.memory_space<semaphore_mem>>
    tpu.enqueue_indirect_dma source(%dma_start3A_49 : memref<1000000x128xf32, #tpu.memory_space<hbm>>) target(%dma_start3A_44 : memref<64x128xf32, #tpu.memory_space<vmem>>) offsets(%dma_start3A_46 : memref<64xi32, #tpu.memory_space<vmem>>) semaphore(%dma_start3A_51 : memref<!tpu.dma_semaphore, #tpu.memory_space<semaphore_mem>>)
    %scan3A = arith.constant 0 : i32
    %scan3A_52 = arith.constant 0 : i32
    %scan3A_53 = arith.constant 8 : i32
    %scan3A_54 = arith.addi %scan3A_52, %scan3A_53 : i32
    %scan3A_55 = arith.constant 1 : i32
    scf.for %scan3A_57 = %scan3A_52 to %scan3A_54 step %scan3A_55  : i32 {
      %rem3A = arith.constant 2 : i32
      %rem3A_58 = arith.remsi %scan3A_57, %rem3A : i32
      %add3A_59 = arith.constant 1 : i32
      %add3A_60 = arith.addi %scan3A_57, %add3A_59 : i32
      %lt3A = arith.constant 8 : i32
      %lt3A_61 = arith.cmpi slt, %add3A_60, %lt3A : i32
      %convert_element_type3A = arith.extui %lt3A_61 : i1 to i32
      %cond3A = arith.constant 0 : i32
      %cond3A_62 = arith.cmpi ne, %convert_element_type3A, %cond3A : i32
      scf.if %cond3A_62 {
        %add3A_102 = arith.constant 1 : i32
        %add3A_103 = arith.addi %scan3A_57, %add3A_102 : i32
        %add3A_104 = arith.constant 1 : i32
        %add3A_105 = arith.addi %scan3A_57, %add3A_104 : i32
        %rem3A_106 = arith.constant 2 : i32
        %rem3A_107 = arith.remsi %add3A_105, %rem3A_106 : i32
        %mul3A_108 = arith.constant 64 : i32
        %mul3A_109 = arith.muli %add3A_103, %mul3A_108 : i32
        %dma_start3A_110 = arith.constant 0 : i32
        %dma_start3A_111 = arith.constant 0 : i32
        %dma_start3A_112 = tpu.memref_slice %arg11[%rem3A_107, %dma_start3A_110, %dma_start3A_111] : memref<2x64x128xf32, #tpu.memory_space<vmem>> -> memref<1x64x128xf32, #tpu.memory_space<vmem>>
        %dma_start3A_113 = tpu.memref_squeeze %dma_start3A_112 : memref<1x64x128xf32, #tpu.memory_space<vmem>> -> memref<64x128xf32, #tpu.memory_space<vmem>>
        %dma_start3A_114 = tpu.memref_slice %arg8[%mul3A_109] : memref<512xi32, #tpu.memory_space<vmem>> -> memref<64xi32, #tpu.memory_space<vmem>>
        %dma_start3A_115 = arith.constant 0 : i32
        %dma_start3A_116 = arith.constant 0 : i32
        %dma_start3A_117 = tpu.memref_slice %arg5[%dma_start3A_115, %dma_start3A_116] : memref<1000000x128xf32, #tpu.memory_space<hbm>> -> memref<1000000x128xf32, #tpu.memory_space<hbm>>
        %dma_start3A_118 = tpu.memref_slice %arg16[%rem3A_107] : memref<2x!tpu.dma_semaphore, #tpu.memory_space<semaphore_mem>> -> memref<1x!tpu.dma_semaphore, #tpu.memory_space<semaphore_mem>>
        %dma_start3A_119 = tpu.memref_squeeze %dma_start3A_118 : memref<1x!tpu.dma_semaphore, #tpu.memory_space<semaphore_mem>> -> memref<!tpu.dma_semaphore, #tpu.memory_space<semaphore_mem>>
        tpu.enqueue_indirect_dma source(%dma_start3A_117 : memref<1000000x128xf32, #tpu.memory_space<hbm>>) target(%dma_start3A_113 : memref<64x128xf32, #tpu.memory_space<vmem>>) offsets(%dma_start3A_114 : memref<64xi32, #tpu.memory_space<vmem>>) semaphore(%dma_start3A_119 : memref<!tpu.dma_semaphore, #tpu.memory_space<semaphore_mem>>)
        %dma_start3A_120 = arith.constant 0 : i32
        %dma_start3A_121 = arith.constant 0 : i32
        %dma_start3A_122 = tpu.memref_slice %arg12[%rem3A_107, %dma_start3A_120, %dma_start3A_121] : memref<2x64x128xf32, #tpu.memory_space<vmem>> -> memref<1x64x128xf32, #tpu.memory_space<vmem>>
        %dma_start3A_123 = tpu.memref_squeeze %dma_start3A_122 : memref<1x64x128xf32, #tpu.memory_space<vmem>> -> memref<64x128xf32, #tpu.memory_space<vmem>>
        %dma_start3A_124 = tpu.memref_slice %arg9[%mul3A_109] : memref<512xi32, #tpu.memory_space<vmem>> -> memref<64xi32, #tpu.memory_space<vmem>>
        %dma_start3A_125 = arith.constant 0 : i32
        %dma_start3A_126 = arith.constant 0 : i32
        %dma_start3A_127 = tpu.memref_slice %arg6[%dma_start3A_125, %dma_start3A_126] : memref<100000x128xf32, #tpu.memory_space<hbm>> -> memref<100000x128xf32, #tpu.memory_space<hbm>>
        %dma_start3A_128 = tpu.memref_slice %arg16[%rem3A_107] : memref<2x!tpu.dma_semaphore, #tpu.memory_space<semaphore_mem>> -> memref<1x!tpu.dma_semaphore, #tpu.memory_space<semaphore_mem>>
        %dma_start3A_129 = tpu.memref_squeeze %dma_start3A_128 : memref<1x!tpu.dma_semaphore, #tpu.memory_space<semaphore_mem>> -> memref<!tpu.dma_semaphore, #tpu.memory_space<semaphore_mem>>
        tpu.enqueue_indirect_dma source(%dma_start3A_127 : memref<100000x128xf32, #tpu.memory_space<hbm>>) target(%dma_start3A_123 : memref<64x128xf32, #tpu.memory_space<vmem>>) offsets(%dma_start3A_124 : memref<64xi32, #tpu.memory_space<vmem>>) semaphore(%dma_start3A_129 : memref<!tpu.dma_semaphore, #tpu.memory_space<semaphore_mem>>)
        %dma_start3A_130 = arith.constant 0 : i32
        %dma_start3A_131 = arith.constant 0 : i32
        %dma_start3A_132 = tpu.memref_slice %arg13[%rem3A_107, %dma_start3A_130, %dma_start3A_131] : memref<2x64x128xf32, #tpu.memory_space<vmem>> -> memref<1x64x128xf32, #tpu.memory_space<vmem>>
        %dma_start3A_133 = tpu.memref_squeeze %dma_start3A_132 : memref<1x64x128xf32, #tpu.memory_space<vmem>> -> memref<64x128xf32, #tpu.memory_space<vmem>>
        %dma_start3A_134 = tpu.memref_slice %arg10[%mul3A_109] : memref<512xi32, #tpu.memory_space<vmem>> -> memref<64xi32, #tpu.memory_space<vmem>>
        %dma_start3A_135 = arith.constant 0 : i32
        %dma_start3A_136 = arith.constant 0 : i32
        %dma_start3A_137 = tpu.memref_slice %arg5[%dma_start3A_135, %dma_start3A_136] : memref<1000000x128xf32, #tpu.memory_space<hbm>> -> memref<1000000x128xf32, #tpu.memory_space<hbm>>
        %dma_start3A_138 = tpu.memref_slice %arg16[%rem3A_107] : memref<2x!tpu.dma_semaphore, #tpu.memory_space<semaphore_mem>> -> memref<1x!tpu.dma_semaphore, #tpu.memory_space<semaphore_mem>>
        %dma_start3A_139 = tpu.memref_squeeze %dma_start3A_138 : memref<1x!tpu.dma_semaphore, #tpu.memory_space<semaphore_mem>> -> memref<!tpu.dma_semaphore, #tpu.memory_space<semaphore_mem>>
        tpu.enqueue_indirect_dma source(%dma_start3A_137 : memref<1000000x128xf32, #tpu.memory_space<hbm>>) target(%dma_start3A_133 : memref<64x128xf32, #tpu.memory_space<vmem>>) offsets(%dma_start3A_134 : memref<64xi32, #tpu.memory_space<vmem>>) semaphore(%dma_start3A_139 : memref<!tpu.dma_semaphore, #tpu.memory_space<semaphore_mem>>)
      } else {
      }
      %dma_wait3A_63 = arith.constant 0 : i32
      %dma_wait3A_64 = arith.constant 0 : i32
      %dma_wait3A_65 = tpu.memref_slice %arg11[%rem3A_58, %dma_wait3A_63, %dma_wait3A_64] : memref<2x64x128xf32, #tpu.memory_space<vmem>> -> memref<1x64x128xf32, #tpu.memory_space<vmem>>
      %dma_wait3A_66 = tpu.memref_squeeze %dma_wait3A_65 : memref<1x64x128xf32, #tpu.memory_space<vmem>> -> memref<64x128xf32, #tpu.memory_space<vmem>>
      %dma_wait3A_67 = arith.constant 0 : i32
      %dma_wait3A_68 = tpu.memref_slice %arg8[%dma_wait3A_67] : memref<512xi32, #tpu.memory_space<vmem>> -> memref<64xi32, #tpu.memory_space<vmem>>
      %dma_wait3A_69 = arith.constant 0 : i32
      %dma_wait3A_70 = arith.constant 0 : i32
      %dma_wait3A_71 = tpu.memref_slice %arg5[%dma_wait3A_69, %dma_wait3A_70] : memref<1000000x128xf32, #tpu.memory_space<hbm>> -> memref<1000000x128xf32, #tpu.memory_space<hbm>>
      %dma_wait3A_72 = tpu.memref_slice %arg16[%rem3A_58] : memref<2x!tpu.dma_semaphore, #tpu.memory_space<semaphore_mem>> -> memref<1x!tpu.dma_semaphore, #tpu.memory_space<semaphore_mem>>
      %dma_wait3A_73 = tpu.memref_squeeze %dma_wait3A_72 : memref<1x!tpu.dma_semaphore, #tpu.memory_space<semaphore_mem>> -> memref<!tpu.dma_semaphore, #tpu.memory_space<semaphore_mem>>
      tpu.wait_indirect_dma semaphore(%dma_wait3A_73 : memref<!tpu.dma_semaphore, #tpu.memory_space<semaphore_mem>>) src(%dma_wait3A_71 : memref<1000000x128xf32, #tpu.memory_space<hbm>>) dst(%dma_wait3A_66 : memref<64x128xf32, #tpu.memory_space<vmem>>)
      %dma_wait3A_74 = arith.constant 0 : i32
      %dma_wait3A_75 = arith.constant 0 : i32
      %dma_wait3A_76 = tpu.memref_slice %arg12[%rem3A_58, %dma_wait3A_74, %dma_wait3A_75] : memref<2x64x128xf32, #tpu.memory_space<vmem>> -> memref<1x64x128xf32, #tpu.memory_space<vmem>>
      %dma_wait3A_77 = tpu.memref_squeeze %dma_wait3A_76 : memref<1x64x128xf32, #tpu.memory_space<vmem>> -> memref<64x128xf32, #tpu.memory_space<vmem>>
      %dma_wait3A_78 = arith.constant 0 : i32
      %dma_wait3A_79 = tpu.memref_slice %arg8[%dma_wait3A_78] : memref<512xi32, #tpu.memory_space<vmem>> -> memref<64xi32, #tpu.memory_space<vmem>>
      %dma_wait3A_80 = arith.constant 0 : i32
      %dma_wait3A_81 = arith.constant 0 : i32
      %dma_wait3A_82 = tpu.memref_slice %arg5[%dma_wait3A_80, %dma_wait3A_81] : memref<1000000x128xf32, #tpu.memory_space<hbm>> -> memref<1000000x128xf32, #tpu.memory_space<hbm>>
      %dma_wait3A_83 = tpu.memref_slice %arg16[%rem3A_58] : memref<2x!tpu.dma_semaphore, #tpu.memory_space<semaphore_mem>> -> memref<1x!tpu.dma_semaphore, #tpu.memory_space<semaphore_mem>>
      %dma_wait3A_84 = tpu.memref_squeeze %dma_wait3A_83 : memref<1x!tpu.dma_semaphore, #tpu.memory_space<semaphore_mem>> -> memref<!tpu.dma_semaphore, #tpu.memory_space<semaphore_mem>>
      tpu.wait_indirect_dma semaphore(%dma_wait3A_84 : memref<!tpu.dma_semaphore, #tpu.memory_space<semaphore_mem>>) src(%dma_wait3A_82 : memref<1000000x128xf32, #tpu.memory_space<hbm>>) dst(%dma_wait3A_77 : memref<64x128xf32, #tpu.memory_space<vmem>>)
      %dma_wait3A_85 = arith.constant 0 : i32
      %dma_wait3A_86 = arith.constant 0 : i32
      %dma_wait3A_87 = tpu.memref_slice %arg13[%rem3A_58, %dma_wait3A_85, %dma_wait3A_86] : memref<2x64x128xf32, #tpu.memory_space<vmem>> -> memref<1x64x128xf32, #tpu.memory_space<vmem>>
      %dma_wait3A_88 = tpu.memref_squeeze %dma_wait3A_87 : memref<1x64x128xf32, #tpu.memory_space<vmem>> -> memref<64x128xf32, #tpu.memory_space<vmem>>
      %dma_wait3A_89 = arith.constant 0 : i32
      %dma_wait3A_90 = tpu.memref_slice %arg8[%dma_wait3A_89] : memref<512xi32, #tpu.memory_space<vmem>> -> memref<64xi32, #tpu.memory_space<vmem>>
      %dma_wait3A_91 = arith.constant 0 : i32
      %dma_wait3A_92 = arith.constant 0 : i32
      %dma_wait3A_93 = tpu.memref_slice %arg5[%dma_wait3A_91, %dma_wait3A_92] : memref<1000000x128xf32, #tpu.memory_space<hbm>> -> memref<1000000x128xf32, #tpu.memory_space<hbm>>
      %dma_wait3A_94 = tpu.memref_slice %arg16[%rem3A_58] : memref<2x!tpu.dma_semaphore, #tpu.memory_space<semaphore_mem>> -> memref<1x!tpu.dma_semaphore, #tpu.memory_space<semaphore_mem>>
      %dma_wait3A_95 = tpu.memref_squeeze %dma_wait3A_94 : memref<1x!tpu.dma_semaphore, #tpu.memory_space<semaphore_mem>> -> memref<!tpu.dma_semaphore, #tpu.memory_space<semaphore_mem>>
      tpu.wait_indirect_dma semaphore(%dma_wait3A_95 : memref<!tpu.dma_semaphore, #tpu.memory_space<semaphore_mem>>) src(%dma_wait3A_93 : memref<1000000x128xf32, #tpu.memory_space<hbm>>) dst(%dma_wait3A_88 : memref<64x128xf32, #tpu.memory_space<vmem>>)
      %scan3A_96 = arith.constant 0 : i32
      %scan3A_97 = arith.constant 0 : i32
      %scan3A_98 = arith.constant 4 : i32
      %scan3A_99 = arith.addi %scan3A_97, %scan3A_98 : i32
      %scan3A_100 = arith.constant 1 : i32
      scf.for %scan3A_102 = %scan3A_97 to %scan3A_99 step %scan3A_100  : i32 {
        %mul3A_103 = arith.constant 16 : i32
        %mul3A_104 = arith.muli %scan3A_102, %mul3A_103 : i32
        %scan3A_105 = arith.constant 0 : i32
        %scan3A_106 = arith.constant 0 : i32
        %scan3A_107 = arith.constant 16 : i32
        %scan3A_108 = arith.addi %scan3A_106, %scan3A_107 : i32
        %scan3A_109 = arith.constant 1 : i32
        scf.for %scan3A_245 = %scan3A_106 to %scan3A_108 step %scan3A_109  : i32 {
          %broadcast_in_dim3A_246 = arith.constant 0.000000e+00 : f32
          %broadcast_in_dim3A_247 = vector.broadcast %broadcast_in_dim3A_246 : f32 to vector<16xf32>
          %add3A_248 = arith.addi %mul3A_104, %scan3A_245 : i32
          %get3A = arith.index_cast %rem3A_58 : i32 to index
          %get3A_249 = arith.index_cast %add3A_248 : i32 to index
          %get3A_250 = arith.constant 0 : index
          %get3A_251 = tpu.vector_load %arg11[%get3A, %get3A_249, %get3A_250] {strides = array<i32>} : memref<2x64x128xf32, #tpu.memory_space<vmem>>, vector<16xf32>,
          %add3A_252 = arith.addi %mul3A_104, %scan3A_245 : i32
          %get3A_253 = arith.index_cast %rem3A_58 : i32 to index
          %get3A_254 = arith.index_cast %add3A_252 : i32 to index
          %get3A_255 = arith.constant 0 : index
          %get3A_256 = tpu.vector_load %arg12[%get3A_253, %get3A_254, %get3A_255] {strides = array<i32>} : memref<2x64x128xf32, #tpu.memory_space<vmem>>, vector<16xf32>,
          %add3A_257 = arith.addi %mul3A_104, %scan3A_245 : i32
          %get3A_258 = arith.index_cast %rem3A_58 : i32 to index
          %get3A_259 = arith.index_cast %add3A_257 : i32 to index
          %get3A_260 = arith.constant 0 : index
          %get3A_261 = tpu.vector_load %arg13[%get3A_258, %get3A_259, %get3A_260] {strides = array<i32>} : memref<2x64x128xf32, #tpu.memory_space<vmem>>, vector<16xf32>,
          %add3A_262 = arith.addf %get3A_251, %get3A_256 : vector<16xf32>
          %sub3A_263 = arith.subf %add3A_262, %get3A_261 : vector<16xf32>
          %abs3A = math.absf %sub3A_263 : vector<16xf32>
          %add3A_264 = arith.addf %broadcast_in_dim3A_247, %abs3A : vector<16xf32>
          %add3A_265 = arith.addi %mul3A_104, %scan3A_245 : i32
          %get3A_266 = arith.index_cast %rem3A_58 : i32 to index
          %get3A_267 = arith.index_cast %add3A_265 : i32 to index
          %get3A_268 = arith.constant 16 : index
          %get3A_269 = tpu.vector_load %arg11[%get3A_266, %get3A_267, %get3A_268] {strides = array<i32>} : memref<2x64x128xf32, #tpu.memory_space<vmem>>, vector<16xf32>,
          %add3A_270 = arith.addi %mul3A_104, %scan3A_245 : i32
          %get3A_271 = arith.index_cast %rem3A_58 : i32 to index
          %get3A_272 = arith.index_cast %add3A_270 : i32 to index
          %get3A_273 = arith.constant 16 : index
          %get3A_274 = tpu.vector_load %arg12[%get3A_271, %get3A_272, %get3A_273] {strides = array<i32>} : memref<2x64x128xf32, #tpu.memory_space<vmem>>, vector<16xf32>,
          %add3A_275 = arith.addi %mul3A_104, %scan3A_245 : i32
          %get3A_276 = arith.index_cast %rem3A_58 : i32 to index
          %get3A_277 = arith.index_cast %add3A_275 : i32 to index
          %get3A_278 = arith.constant 16 : index
          %get3A_279 = tpu.vector_load %arg13[%get3A_276, %get3A_277, %get3A_278] {strides = array<i32>} : memref<2x64x128xf32, #tpu.memory_space<vmem>>, vector<16xf32>,
          %add3A_280 = arith.addf %get3A_269, %get3A_274 : vector<16xf32>
          %sub3A_281 = arith.subf %add3A_280, %get3A_279 : vector<16xf32>
          %abs3A_282 = math.absf %sub3A_281 : vector<16xf32>
          %add3A_283 = arith.addf %add3A_264, %abs3A_282 : vector<16xf32>
          %add3A_284 = arith.addi %mul3A_104, %scan3A_245 : i32
          %get3A_285 = arith.index_cast %rem3A_58 : i32 to index
          %get3A_286 = arith.index_cast %add3A_284 : i32 to index
          %get3A_287 = arith.constant 32 : index
          %get3A_288 = tpu.vector_load %arg11[%get3A_285, %get3A_286, %get3A_287] {strides = array<i32>} : memref<2x64x128xf32, #tpu.memory_space<vmem>>, vector<16xf32>,
          %add3A_289 = arith.addi %mul3A_104, %scan3A_245 : i32
          %get3A_290 = arith.index_cast %rem3A_58 : i32 to index
          %get3A_291 = arith.index_cast %add3A_289 : i32 to index
          %get3A_292 = arith.constant 32 : index
          %get3A_293 = tpu.vector_load %arg12[%get3A_290, %get3A_291, %get3A_292] {strides = array<i32>} : memref<2x64x128xf32, #tpu.memory_space<vmem>>, vector<16xf32>,
          %add3A_294 = arith.addi %mul3A_104, %scan3A_245 : i32
          %get3A_295 = arith.index_cast %rem3A_58 : i32 to index
          %get3A_296 = arith.index_cast %add3A_294 : i32 to index
          %get3A_297 = arith.constant 32 : index
          %get3A_298 = tpu.vector_load %arg13[%get3A_295, %get3A_296, %get3A_297] {strides = array<i32>} : memref<2x64x128xf32, #tpu.memory_space<vmem>>, vector<16xf32>,
          %add3A_299 = arith.addf %get3A_288, %get3A_293 : vector<16xf32>
          %sub3A_300 = arith.subf %add3A_299, %get3A_298 : vector<16xf32>
          %abs3A_301 = math.absf %sub3A_300 : vector<16xf32>
          %add3A_302 = arith.addf %add3A_283, %abs3A_301 : vector<16xf32>
          %add3A_303 = arith.addi %mul3A_104, %scan3A_245 : i32
          %get3A_304 = arith.index_cast %rem3A_58 : i32 to index
          %get3A_305 = arith.index_cast %add3A_303 : i32 to index
          %get3A_306 = arith.constant 48 : index
          %get3A_307 = tpu.vector_load %arg11[%get3A_304, %get3A_305, %get3A_306] {strides = array<i32>} : memref<2x64x128xf32, #tpu.memory_space<vmem>>, vector<16xf32>,
          %add3A_308 = arith.addi %mul3A_104, %scan3A_245 : i32
          %get3A_309 = arith.index_cast %rem3A_58 : i32 to index
          %get3A_310 = arith.index_cast %add3A_308 : i32 to index
          %get3A_311 = arith.constant 48 : index
          %get3A_312 = tpu.vector_load %arg12[%get3A_309, %get3A_310, %get3A_311] {strides = array<i32>} : memref<2x64x128xf32, #tpu.memory_space<vmem>>, vector<16xf32>,
          %add3A_313 = arith.addi %mul3A_104, %scan3A_245 : i32
          %get3A_314 = arith.index_cast %rem3A_58 : i32 to index
          %get3A_315 = arith.index_cast %add3A_313 : i32 to index
          %get3A_316 = arith.constant 48 : index
          %get3A_317 = tpu.vector_load %arg13[%get3A_314, %get3A_315, %get3A_316] {strides = array<i32>} : memref<2x64x128xf32, #tpu.memory_space<vmem>>, vector<16xf32>,
          %add3A_318 = arith.addf %get3A_307, %get3A_312 : vector<16xf32>
          %sub3A_319 = arith.subf %add3A_318, %get3A_317 : vector<16xf32>
          %abs3A_320 = math.absf %sub3A_319 : vector<16xf32>
          %add3A_321 = arith.addf %add3A_302, %abs3A_320 : vector<16xf32>
          %add3A_322 = arith.addi %mul3A_104, %scan3A_245 : i32
          %get3A_323 = arith.index_cast %rem3A_58 : i32 to index
          %get3A_324 = arith.index_cast %add3A_322 : i32 to index
          %get3A_325 = arith.constant 64 : index
          %get3A_326 = tpu.vector_load %arg11[%get3A_323, %get3A_324, %get3A_325] {strides = array<i32>} : memref<2x64x128xf32, #tpu.memory_space<vmem>>, vector<16xf32>,
          %add3A_327 = arith.addi %mul3A_104, %scan3A_245 : i32
          %get3A_328 = arith.index_cast %rem3A_58 : i32 to index
          %get3A_329 = arith.index_cast %add3A_327 : i32 to index
          %get3A_330 = arith.constant 64 : index
          %get3A_331 = tpu.vector_load %arg12[%get3A_328, %get3A_329, %get3A_330] {strides = array<i32>} : memref<2x64x128xf32, #tpu.memory_space<vmem>>, vector<16xf32>,
          %add3A_332 = arith.addi %mul3A_104, %scan3A_245 : i32
          %get3A_333 = arith.index_cast %rem3A_58 : i32 to index
          %get3A_334 = arith.index_cast %add3A_332 : i32 to index
          %get3A_335 = arith.constant 64 : index
          %get3A_336 = tpu.vector_load %arg13[%get3A_333, %get3A_334, %get3A_335] {strides = array<i32>} : memref<2x64x128xf32, #tpu.memory_space<vmem>>, vector<16xf32>,
          %add3A_337 = arith.addf %get3A_326, %get3A_331 : vector<16xf32>
          %sub3A_338 = arith.subf %add3A_337, %get3A_336 : vector<16xf32>
          %abs3A_339 = math.absf %sub3A_338 : vector<16xf32>
          %add3A_340 = arith.addf %add3A_321, %abs3A_339 : vector<16xf32>
          %add3A_341 = arith.addi %mul3A_104, %scan3A_245 : i32
          %get3A_342 = arith.index_cast %rem3A_58 : i32 to index
          %get3A_343 = arith.index_cast %add3A_341 : i32 to index
          %get3A_344 = arith.constant 80 : index
          %get3A_345 = tpu.vector_load %arg11[%get3A_342, %get3A_343, %get3A_344] {strides = array<i32>} : memref<2x64x128xf32, #tpu.memory_space<vmem>>, vector<16xf32>,
          %add3A_346 = arith.addi %mul3A_104, %scan3A_245 : i32
          %get3A_347 = arith.index_cast %rem3A_58 : i32 to index
          %get3A_348 = arith.index_cast %add3A_346 : i32 to index
          %get3A_349 = arith.constant 80 : index
          %get3A_350 = tpu.vector_load %arg12[%get3A_347, %get3A_348, %get3A_349] {strides = array<i32>} : memref<2x64x128xf32, #tpu.memory_space<vmem>>, vector<16xf32>,
          %add3A_351 = arith.addi %mul3A_104, %scan3A_245 : i32
          %get3A_352 = arith.index_cast %rem3A_58 : i32 to index
          %get3A_353 = arith.index_cast %add3A_351 : i32 to index
          %get3A_354 = arith.constant 80 : index
          %get3A_355 = tpu.vector_load %arg13[%get3A_352, %get3A_353, %get3A_354] {strides = array<i32>} : memref<2x64x128xf32, #tpu.memory_space<vmem>>, vector<16xf32>,
          %add3A_356 = arith.addf %get3A_345, %get3A_350 : vector<16xf32>
          %sub3A_357 = arith.subf %add3A_356, %get3A_355 : vector<16xf32>
          %abs3A_358 = math.absf %sub3A_357 : vector<16xf32>
          %add3A_359 = arith.addf %add3A_340, %abs3A_358 : vector<16xf32>
          %add3A_360 = arith.addi %mul3A_104, %scan3A_245 : i32
          %get3A_361 = arith.index_cast %rem3A_58 : i32 to index
          %get3A_362 = arith.index_cast %add3A_360 : i32 to index
          %get3A_363 = arith.constant 96 : index
          %get3A_364 = tpu.vector_load %arg11[%get3A_361, %get3A_362, %get3A_363] {strides = array<i32>} : memref<2x64x128xf32, #tpu.memory_space<vmem>>, vector<16xf32>,
          %add3A_365 = arith.addi %mul3A_104, %scan3A_245 : i32
          %get3A_366 = arith.index_cast %rem3A_58 : i32 to index
          %get3A_367 = arith.index_cast %add3A_365 : i32 to index
          %get3A_368 = arith.constant 96 : index
          %get3A_369 = tpu.vector_load %arg12[%get3A_366, %get3A_367, %get3A_368] {strides = array<i32>} : memref<2x64x128xf32, #tpu.memory_space<vmem>>, vector<16xf32>,
          %add3A_370 = arith.addi %mul3A_104, %scan3A_245 : i32
          %get3A_371 = arith.index_cast %rem3A_58 : i32 to index
          %get3A_372 = arith.index_cast %add3A_370 : i32 to index
          %get3A_373 = arith.constant 96 : index
          %get3A_374 = tpu.vector_load %arg13[%get3A_371, %get3A_372, %get3A_373] {strides = array<i32>} : memref<2x64x128xf32, #tpu.memory_space<vmem>>, vector<16xf32>,
          %add3A_375 = arith.addf %get3A_364, %get3A_369 : vector<16xf32>
          %sub3A_376 = arith.subf %add3A_375, %get3A_374 : vector<16xf32>
          %abs3A_377 = math.absf %sub3A_376 : vector<16xf32>
          %add3A_378 = arith.addf %add3A_359, %abs3A_377 : vector<16xf32>
          %add3A_379 = arith.addi %mul3A_104, %scan3A_245 : i32
          %get3A_380 = arith.index_cast %rem3A_58 : i32 to index
          %get3A_381 = arith.index_cast %add3A_379 : i32 to index
          %get3A_382 = arith.constant 112 : index
          %get3A_383 = tpu.vector_load %arg11[%get3A_380, %get3A_381, %get3A_382] {strides = array<i32>} : memref<2x64x128xf32, #tpu.memory_space<vmem>>, vector<16xf32>,
          %add3A_384 = arith.addi %mul3A_104, %scan3A_245 : i32
          %get3A_385 = arith.index_cast %rem3A_58 : i32 to index
          %get3A_386 = arith.index_cast %add3A_384 : i32 to index
          %get3A_387 = arith.constant 112 : index
          %get3A_388 = tpu.vector_load %arg12[%get3A_385, %get3A_386, %get3A_387] {strides = array<i32>} : memref<2x64x128xf32, #tpu.memory_space<vmem>>, vector<16xf32>,
          %add3A_389 = arith.addi %mul3A_104, %scan3A_245 : i32
          %get3A_390 = arith.index_cast %rem3A_58 : i32 to index
          %get3A_391 = arith.index_cast %add3A_389 : i32 to index
          %get3A_392 = arith.constant 112 : index
          %get3A_393 = tpu.vector_load %arg13[%get3A_390, %get3A_391, %get3A_392] {strides = array<i32>} : memref<2x64x128xf32, #tpu.memory_space<vmem>>, vector<16xf32>,
          %add3A_394 = arith.addf %get3A_383, %get3A_388 : vector<16xf32>
          %sub3A_395 = arith.subf %add3A_394, %get3A_393 : vector<16xf32>
          %abs3A_396 = math.absf %sub3A_395 : vector<16xf32>
          %add3A_397 = arith.addf %add3A_378, %abs3A_396 : vector<16xf32>
          %mul3A_398 = arith.constant 16 : i32
          %mul3A_399 = arith.muli %scan3A_245, %mul3A_398 : i32
          %swap3A_400 = arith.index_cast %mul3A_399 : i32 to index
          %swap3A_401 = tpu.vector_load %arg14[%swap3A_400] {strides = array<i32>} : memref<256xf32, #tpu.memory_space<vmem>>, vector<16xf32>,
          tpu.vector_store %arg14[%swap3A_400], %add3A_397 {strides = array<i32>} : memref<256xf32, #tpu.memory_space<vmem>>, vector<16xf32>,
        }
        %scan3A_110 = arith.constant 16 : i32
        %broadcast_in_dim3A = arith.constant 0.000000e+00 : f32
        %broadcast_in_dim3A_111 = vector.broadcast %broadcast_in_dim3A : f32 to vector<16xf32>
        %mul3A_112 = arith.constant 16 : i32
        %mul3A_113 = vector.broadcast %mul3A_112 : i32 to vector<16xi32>
        %mul3A_114 = arith.muli %iota3A, %mul3A_113 : vector<16xi32>
        %add3A_115 = arith.constant 0 : i32
        %add3A_116 = vector.broadcast %add3A_115 : i32 to vector<16xi32>
        %add3A_117 = arith.addi %mul3A_114, %add3A_116 : vector<16xi32>
        %gather3A = tpu.vector_load_idx %arg14[%add3A_117] : memref<256xf32, #tpu.memory_space<vmem>>[vector<16xi32>], vector<16xf32>,
        %add3A_118 = arith.addf %broadcast_in_dim3A_111, %gather3A : vector<16xf32>
        %mul3A_119 = arith.constant 16 : i32
        %mul3A_120 = vector.broadcast %mul3A_119 : i32 to vector<16xi32>
        %mul3A_121 = arith.muli %iota3A, %mul3A_120 : vector<16xi32>
        %add3A_122 = arith.constant 1 : i32
        %add3A_123 = vector.broadcast %add3A_122 : i32 to vector<16xi32>
        %add3A_124 = arith.addi %mul3A_121, %add3A_123 : vector<16xi32>
        %gather3A_125 = tpu.vector_load_idx %arg14[%add3A_124] : memref<256xf32, #tpu.memory_space<vmem>>[vector<16xi32>], vector<16xf32>,
        %add3A_126 = arith.addf %add3A_118, %gather3A_125 : vector<16xf32>
        %mul3A_127 = arith.constant 16 : i32
        %mul3A_128 = vector.broadcast %mul3A_127 : i32 to vector<16xi32>
        %mul3A_129 = arith.muli %iota3A, %mul3A_128 : vector<16xi32>
        %add3A_130 = arith.constant 2 : i32
        %add3A_131 = vector.broadcast %add3A_130 : i32 to vector<16xi32>
        %add3A_132 = arith.addi %mul3A_129, %add3A_131 : vector<16xi32>
        %gather3A_133 = tpu.vector_load_idx %arg14[%add3A_132] : memref<256xf32, #tpu.memory_space<vmem>>[vector<16xi32>], vector<16xf32>,
        %add3A_134 = arith.addf %add3A_126, %gather3A_133 : vector<16xf32>
        %mul3A_135 = arith.constant 16 : i32
        %mul3A_136 = vector.broadcast %mul3A_135 : i32 to vector<16xi32>
        %mul3A_137 = arith.muli %iota3A, %mul3A_136 : vector<16xi32>
        %add3A_138 = arith.constant 3 : i32
        %add3A_139 = vector.broadcast %add3A_138 : i32 to vector<16xi32>
        %add3A_140 = arith.addi %mul3A_137, %add3A_139 : vector<16xi32>
        %gather3A_141 = tpu.vector_load_idx %arg14[%add3A_140] : memref<256xf32, #tpu.memory_space<vmem>>[vector<16xi32>], vector<16xf32>,
        %add3A_142 = arith.addf %add3A_134, %gather3A_141 : vector<16xf32>
        %mul3A_143 = arith.constant 16 : i32
        %mul3A_144 = vector.broadcast %mul3A_143 : i32 to vector<16xi32>
        %mul3A_145 = arith.muli %iota3A, %mul3A_144 : vector<16xi32>
        %add3A_146 = arith.constant 4 : i32
        %add3A_147 = vector.broadcast %add3A_146 : i32 to vector<16xi32>
        %add3A_148 = arith.addi %mul3A_145, %add3A_147 : vector<16xi32>
        %gather3A_149 = tpu.vector_load_idx %arg14[%add3A_148] : memref<256xf32, #tpu.memory_space<vmem>>[vector<16xi32>], vector<16xf32>,
        %add3A_150 = arith.addf %add3A_142, %gather3A_149 : vector<16xf32>
        %mul3A_151 = arith.constant 16 : i32
        %mul3A_152 = vector.broadcast %mul3A_151 : i32 to vector<16xi32>
        %mul3A_153 = arith.muli %iota3A, %mul3A_152 : vector<16xi32>
        %add3A_154 = arith.constant 5 : i32
        %add3A_155 = vector.broadcast %add3A_154 : i32 to vector<16xi32>
        %add3A_156 = arith.addi %mul3A_153, %add3A_155 : vector<16xi32>
        %gather3A_157 = tpu.vector_load_idx %arg14[%add3A_156] : memref<256xf32, #tpu.memory_space<vmem>>[vector<16xi32>], vector<16xf32>,
        %add3A_158 = arith.addf %add3A_150, %gather3A_157 : vector<16xf32>
        %mul3A_159 = arith.constant 16 : i32
        %mul3A_160 = vector.broadcast %mul3A_159 : i32 to vector<16xi32>
        %mul3A_161 = arith.muli %iota3A, %mul3A_160 : vector<16xi32>
        %add3A_162 = arith.constant 6 : i32
        %add3A_163 = vector.broadcast %add3A_162 : i32 to vector<16xi32>
        %add3A_164 = arith.addi %mul3A_161, %add3A_163 : vector<16xi32>
        %gather3A_165 = tpu.vector_load_idx %arg14[%add3A_164] : memref<256xf32, #tpu.memory_space<vmem>>[vector<16xi32>], vector<16xf32>,
        %add3A_166 = arith.addf %add3A_158, %gather3A_165 : vector<16xf32>
        %mul3A_167 = arith.constant 16 : i32
        %mul3A_168 = vector.broadcast %mul3A_167 : i32 to vector<16xi32>
        %mul3A_169 = arith.muli %iota3A, %mul3A_168 : vector<16xi32>
        %add3A_170 = arith.constant 7 : i32
        %add3A_171 = vector.broadcast %add3A_170 : i32 to vector<16xi32>
        %add3A_172 = arith.addi %mul3A_169, %add3A_171 : vector<16xi32>
        %gather3A_173 = tpu.vector_load_idx %arg14[%add3A_172] : memref<256xf32, #tpu.memory_space<vmem>>[vector<16xi32>], vector<16xf32>,
        %add3A_174 = arith.addf %add3A_166, %gather3A_173 : vector<16xf32>
        %mul3A_175 = arith.constant 16 : i32
        %mul3A_176 = vector.broadcast %mul3A_175 : i32 to vector<16xi32>
        %mul3A_177 = arith.muli %iota3A, %mul3A_176 : vector<16xi32>
        %add3A_178 = arith.constant 8 : i32
        %add3A_179 = vector.broadcast %add3A_178 : i32 to vector<16xi32>
        %add3A_180 = arith.addi %mul3A_177, %add3A_179 : vector<16xi32>
        %gather3A_181 = tpu.vector_load_idx %arg14[%add3A_180] : memref<256xf32, #tpu.memory_space<vmem>>[vector<16xi32>], vector<16xf32>,
        %add3A_182 = arith.addf %add3A_174, %gather3A_181 : vector<16xf32>
        %mul3A_183 = arith.constant 16 : i32
        %mul3A_184 = vector.broadcast %mul3A_183 : i32 to vector<16xi32>
        %mul3A_185 = arith.muli %iota3A, %mul3A_184 : vector<16xi32>
        %add3A_186 = arith.constant 9 : i32
        %add3A_187 = vector.broadcast %add3A_186 : i32 to vector<16xi32>
        %add3A_188 = arith.addi %mul3A_185, %add3A_187 : vector<16xi32>
        %gather3A_189 = tpu.vector_load_idx %arg14[%add3A_188] : memref<256xf32, #tpu.memory_space<vmem>>[vector<16xi32>], vector<16xf32>,
        %add3A_190 = arith.addf %add3A_182, %gather3A_189 : vector<16xf32>
        %mul3A_191 = arith.constant 16 : i32
        %mul3A_192 = vector.broadcast %mul3A_191 : i32 to vector<16xi32>
        %mul3A_193 = arith.muli %iota3A, %mul3A_192 : vector<16xi32>
        %add3A_194 = arith.constant 10 : i32
        %add3A_195 = vector.broadcast %add3A_194 : i32 to vector<16xi32>
        %add3A_196 = arith.addi %mul3A_193, %add3A_195 : vector<16xi32>
        %gather3A_197 = tpu.vector_load_idx %arg14[%add3A_196] : memref<256xf32, #tpu.memory_space<vmem>>[vector<16xi32>], vector<16xf32>,
        %add3A_198 = arith.addf %add3A_190, %gather3A_197 : vector<16xf32>
        %mul3A_199 = arith.constant 16 : i32
        %mul3A_200 = vector.broadcast %mul3A_199 : i32 to vector<16xi32>
        %mul3A_201 = arith.muli %iota3A, %mul3A_200 : vector<16xi32>
        %add3A_202 = arith.constant 11 : i32
        %add3A_203 = vector.broadcast %add3A_202 : i32 to vector<16xi32>
        %add3A_204 = arith.addi %mul3A_201, %add3A_203 : vector<16xi32>
        %gather3A_205 = tpu.vector_load_idx %arg14[%add3A_204] : memref<256xf32, #tpu.memory_space<vmem>>[vector<16xi32>], vector<16xf32>,
        %add3A_206 = arith.addf %add3A_198, %gather3A_205 : vector<16xf32>
        %mul3A_207 = arith.constant 16 : i32
        %mul3A_208 = vector.broadcast %mul3A_207 : i32 to vector<16xi32>
        %mul3A_209 = arith.muli %iota3A, %mul3A_208 : vector<16xi32>
        %add3A_210 = arith.constant 12 : i32
        %add3A_211 = vector.broadcast %add3A_210 : i32 to vector<16xi32>
        %add3A_212 = arith.addi %mul3A_209, %add3A_211 : vector<16xi32>
        %gather3A_213 = tpu.vector_load_idx %arg14[%add3A_212] : memref<256xf32, #tpu.memory_space<vmem>>[vector<16xi32>], vector<16xf32>,
        %add3A_214 = arith.addf %add3A_206, %gather3A_213 : vector<16xf32>
        %mul3A_215 = arith.constant 16 : i32
        %mul3A_216 = vector.broadcast %mul3A_215 : i32 to vector<16xi32>
        %mul3A_217 = arith.muli %iota3A, %mul3A_216 : vector<16xi32>
        %add3A_218 = arith.constant 13 : i32
        %add3A_219 = vector.broadcast %add3A_218 : i32 to vector<16xi32>
        %add3A_220 = arith.addi %mul3A_217, %add3A_219 : vector<16xi32>
        %gather3A_221 = tpu.vector_load_idx %arg14[%add3A_220] : memref<256xf32, #tpu.memory_space<vmem>>[vector<16xi32>], vector<16xf32>,
        %add3A_222 = arith.addf %add3A_214, %gather3A_221 : vector<16xf32>
        %mul3A_223 = arith.constant 16 : i32
        %mul3A_224 = vector.broadcast %mul3A_223 : i32 to vector<16xi32>
        %mul3A_225 = arith.muli %iota3A, %mul3A_224 : vector<16xi32>
        %add3A_226 = arith.constant 14 : i32
        %add3A_227 = vector.broadcast %add3A_226 : i32 to vector<16xi32>
        %add3A_228 = arith.addi %mul3A_225, %add3A_227 : vector<16xi32>
        %gather3A_229 = tpu.vector_load_idx %arg14[%add3A_228] : memref<256xf32, #tpu.memory_space<vmem>>[vector<16xi32>], vector<16xf32>,
        %add3A_230 = arith.addf %add3A_222, %gather3A_229 : vector<16xf32>
        %mul3A_231 = arith.constant 16 : i32
        %mul3A_232 = vector.broadcast %mul3A_231 : i32 to vector<16xi32>
        %mul3A_233 = arith.muli %iota3A, %mul3A_232 : vector<16xi32>
        %add3A_234 = arith.constant 15 : i32
        %add3A_235 = vector.broadcast %add3A_234 : i32 to vector<16xi32>
        %add3A_236 = arith.addi %mul3A_233, %add3A_235 : vector<16xi32>
        %gather3A_237 = tpu.vector_load_idx %arg14[%add3A_236] : memref<256xf32, #tpu.memory_space<vmem>>[vector<16xi32>], vector<16xf32>,
        %add3A_238 = arith.addf %add3A_230, %gather3A_237 : vector<16xf32>
        %sub3A = arith.constant 1.200000e+01 : f32
        %sub3A_239 = vector.broadcast %sub3A : f32 to vector<16xf32>
        %sub3A_240 = arith.subf %sub3A_239, %add3A_238 : vector<16xf32>
        %mul3A_241 = arith.constant 64 : i32
        %mul3A_242 = arith.muli %scan3A_57, %mul3A_241 : i32
        %add3A_243 = arith.addi %mul3A_242, %mul3A_104 : i32
        %swap3A = arith.index_cast %add3A_243 : i32 to index
        %swap3A_244 = tpu.vector_load %arg15[%swap3A] {strides = array<i32>} : memref<512xf32, #tpu.memory_space<vmem>>, vector<16xf32>,
        tpu.vector_store %arg15[%swap3A], %sub3A_240 {strides = array<i32>} : memref<512xf32, #tpu.memory_space<vmem>>, vector<16xf32>,
      }
      %scan3A_101 = arith.constant 4 : i32
    }
    %scan3A_56 = arith.constant 8 : i32
    "tpu.region"() ({
      %run_scoped3A = tpu.sem_alloc : memref<!tpu.dma_semaphore, #tpu.memory_space<semaphore_mem>>
      %dma_start3A_57 = tpu.memref_slice %arg7[%mul3A_2] : memref<16384xf32, #tpu.memory_space<hbm>> -> memref<512xf32, #tpu.memory_space<hbm>>
      %dma_start3A_58 = tpu.memref_slice %arg7[%mul3A_2] : memref<16384xf32, #tpu.memory_space<hbm>> -> memref<512xf32, #tpu.memory_space<hbm>>
      tpu.enqueue_dma source(%arg15 : memref<512xf32, #tpu.memory_space<vmem>>) target(%dma_start3A_58 : memref<512xf32, #tpu.memory_space<hbm>>) target_semaphore(%run_scoped3A : memref<!tpu.dma_semaphore, #tpu.memory_space<semaphore_mem>>)
      %dma_wait3A_59 = tpu.memref_slice %arg7[%mul3A_2] : memref<16384xf32, #tpu.memory_space<hbm>> -> memref<512xf32, #tpu.memory_space<hbm>>
      %dma_wait3A_60 = tpu.memref_slice %arg7[%mul3A_2] : memref<16384xf32, #tpu.memory_space<hbm>> -> memref<512xf32, #tpu.memory_space<hbm>>
      tpu.wait_dma2 semaphore(%run_scoped3A : memref<!tpu.dma_semaphore, #tpu.memory_space<semaphore_mem>>) src(%arg15 : memref<512xf32, #tpu.memory_space<vmem>>) dst(%dma_wait3A_60 : memref<512xf32, #tpu.memory_space<hbm>>)
      tpu.yield
    }) : () -> ()
    return
  }
}

</mosaic_0001>

<sc_bundles>
// kernel: kernel.3.cloned.1.call-start
scs
__scs_entry_jumppad:
0x0: {  	(pc) =	sbr.rel $0x88, $3  }
0x1: {  	(tag) =	ssettag $0x0;
	lr =	simm.s32 $0x1  }
0x2: {  	[smem:$0x3F9E] =	sst lr;
	_ =	strace $0xD0000000  }
0x3: {  	_ = 	snop  }
0x4: {  	_ = 	snop  }
0x5: {  	_ = 	snop  }
0x6: {  	_ = 	snop  }
0x7: {  	_ = 	snop  }
__scs_overlays_trampoline_lowered:
0x8: {  	[smem:$0x3FAD] =	sst s0  }
0x9: {  	[smem:$0x3FAE] =	sst s1  }
0xa: {  	[smem:$0x3FAF] =	sst s2  }
0xb: {  	[smem:$0x3FB0] =	sst s3  }
0xc: {  	[smem:$0x3FB1] =	sst s4  }
0xd: {  	[smem:$0x3FB2] =	sst s5  }
0xe: {  	[smem:$0x3FB3] =	sst s6  }
0xf: {  	[smem:$0x3FB4] =	sst s7  }
0x10: {  	[smem:$0x3FB5] =	sst s8  }
0x11: {  	[smem:$0x3FB6] =	sst s9;
	s0 =	simm.s32 @!p0 $0x0  }
0x12: {  	s1 =	sld [smem:$0x3F9C];
	s0 =	simm.s32 @p0 $0x1  }
0x13: {  	[smem:$0x3FB7] =	sst s0;
	s0 =	simm.s32 @!p1 $0x0  }
0x14: {  	s2 =	sld [smem:$0x3F9B];
	s0 =	simm.s32 @p1 $0x1  }
0x15: {  	[smem:$0x3FB8] =	sst s0;
	s0 =	simm.s32 @!p2 $0x0  }
0x16: {  	s3 =	sld [smem:$0x3FDB];
	s0 =	simm.s32 @p2 $0x1  }
0x17: {  	s4 =	simm.s32 $0x1BF5;
	[smem:$0x3FBA] =	sst s0  }
0x18: {  	s0 =	sld [smem:$0x3F9D];
	_ =	swait.ge [sflag:s4], $0x0  }
0x19: {  	s7 =	sld [smem:$0x3F9E]  }
0x1a: {  	s8 =	sadd.s32 $0xFFFFE003, lr  }
0x1b: {  	s9 =	sadd.s32 $0xFFFFFEF7, lr;
	s5 =	simm.s32 $0xFFFFFFFF;
	p2 =	slt.u32 s8, $0xFFFFF086  }
0x1c: {  	p1 =	slt.u32 s9, $0xF7A;
	s5 =	simm.s32 @!p2 $0x0  }
0x1d: {  	s5 =	simm.s32 @p1 $0x1;
	p0 =	seq.s32 s7, s2  }
0x1e: {  	s7 =	smul.u32 @!p0 $0xF7A, s2;
	p2 =	seq.s32 @!p0 s5, $0x0  }
0x1f: {  	s9 =	smul.u32 $0xF7A, s1;
	s8 =	simm.s32 @!p0 $0x1BF5;
	p2 =	por !p2, p0  }
0x20: {  	[sflag:s8] =	ssyncset.s32 @!p0 $0xFFFFF086;
	s6 =	sadd.s32 @!p0 s3, s7;
	s7 =	simm.s32 @!p0 $0x108  }
0x21: {  	s3 =	sadd.s32 s3, s9;
	s6 =	sadd.s32 @!p0 $0x88, s6;
	s7 =	simm.s32 @p2 $0x1082  }
0x22: {  	[simem:s7], [sflag:s8] =	dma.local @!p0 [hbm:s6], $0xF7A  }
0x23: {  	s9 =	sor.u32 $0xD0000000, s2;
	s6 =	simm.s32 $0x108;
	_ =	swait.ge @!p0 [sflag:s8], $0x0  }
0x24: {  	s3 =	sadd.s32 $0x88, s3;
	s6 =	simm.s32 @!p1 $0x1082;
	[sflag:s4] =	ssyncset.s32 $0xFFFFF086  }
0x25: {  	[simem:s6], [sflag:s4] =	dma.local [hbm:s3], $0xF7A  }
0x26: {  	[smem:$0x3F9E] =	sst s1;
	(tag) =	ssettag s2;
	_ =	strace s9  }
0x27: {  	s1 =	sld [smem:$0x3FAE]  }
0x28: {  	s2 =	sld [smem:$0x3FAF]  }
0x29: {  	s4 =	sld [smem:$0x3FB1]  }
0x2a: {  	p0 =	seq.s32 s5, $0x0;
	s5 =	sld [smem:$0x3FB2]  }
0x2b: {  	s6 =	sld [smem:$0x3FB3]  }
0x2c: {  	s7 =	sld [smem:$0x3FB4]  }
0x2d: {  	s3 =	simm.s32 $0x108;
	s8 =	sld [smem:$0x3FB5]  }
0x2e: {  	s3 =	simm.s32 @!p0 $0x1082;
	s9 =	sld [smem:$0x3FB6]  }
0x2f: {  	lr =	sadd.s32 s0, s3;
	s0 =	sld [smem:$0x3FAD]  }
0x30: {  	s3 =	sld [smem:$0x3FB0]  }
0x31: {  	[smem:$0x3FB9] =	sst s10  }
0x32: {  	s10 =	sld [smem:$0x3FB7];
	_ =	sdelay $0x3  }
0x33: {  	p0 =	seq.s32 s10, $0x1;
	s10 =	sld [smem:$0x3FB9];
	_ =	sdelay $0x3  }
0x34: {  	[smem:$0x3FB9] =	sst s10  }
0x35: {  	s10 =	sld [smem:$0x3FB8];
	_ =	sdelay $0x3  }
0x36: {  	p1 =	seq.s32 s10, $0x1;
	s10 =	sld [smem:$0x3FB9];
	_ =	sdelay $0x3  }
0x37: {  	[smem:$0x3FB9] =	sst s10  }
0x38: {  	s10 =	sld [smem:$0x3FBA]  }
0x39: {  	_ = 	snop;
	(pc) =	sbr.ind lr, $3  }
0x3a: {  	_ = 	snop  }
0x3b: {  	_ = 	snop  }
0x3c: {  	p2 =	seq.s32 s10, $0x1;
	s10 =	sld [smem:$0x3FB9]  }
0x3d: {  	_ =	shalt  }
0x3e: {  	_ =	shalt  }
0x3f: {  	_ =	shalt  }
0x40: {  	_ =	shalt  }
0x41: {  	_ =	shalt  }
0x42: {  	_ =	shalt  }
0x43: {  	_ =	shalt  }
0x44: {  	_ =	shalt  }
0x45: {  	_ =	shalt  }
0x46: {  	_ =	shalt  }
0x47: {  	_ =	shalt  }
0x48: {  	_ =	shalt  }
0x49: {  	_ =	shalt  }
0x4a: {  	_ =	shalt  }
0x4b: {  	_ =	shalt  }
0x4c: {  	_ =	shalt  }
0x4d: {  	_ =	shalt  }
0x4e: {  	_ =	shalt  }
0x4f: {  	_ =	shalt  }
0x50: {  	_ =	shalt  }
0x51: {  	_ =	shalt  }
0x52: {  	_ =	shalt  }
0x53: {  	_ =	shalt  }
0x54: {  	_ =	shalt  }
0x55: {  	_ =	shalt  }
0x56: {  	_ =	shalt  }
0x57: {  	_ =	shalt  }
0x58: {  	_ =	shalt  }
0x59: {  	_ =	shalt  }
0x5a: {  	_ =	shalt  }
0x5b: {  	_ =	shalt  }
0x5c: {  	_ =	shalt  }
0x5d: {  	_ =	shalt  }
0x5e: {  	_ =	shalt  }
0x5f: {  	_ =	shalt  }
0x60: {  	_ =	shalt  }
0x61: {  	_ =	shalt  }
0x62: {  	_ =	shalt  }
0x63: {  	_ =	shalt  }
0x64: {  	_ =	shalt  }
0x65: {  	_ =	shalt  }
0x66: {  	_ =	shalt  }
0x67: {  	_ =	shalt  }
0x68: {  	_ =	shalt  }
0x69: {  	_ =	shalt  }
0x6a: {  	_ =	shalt  }
0x6b: {  	_ =	shalt  }
0x6c: {  	_ =	shalt  }
0x6d: {  	_ =	shalt  }
0x6e: {  	_ =	shalt  }
0x6f: {  	_ =	shalt  }
0x70: {  	_ =	shalt  }
0x71: {  	_ =	shalt  }
0x72: {  	_ =	shalt  }
0x73: {  	_ =	shalt  }
0x74: {  	_ =	shalt  }
0x75: {  	_ =	shalt  }
0x76: {  	_ =	shalt  }
0x77: {  	_ =	shalt  }
0x78: {  	_ =	shalt  }
0x79: {  	_ =	shalt  }
0x7a: {  	_ =	shalt  }
0x7b: {  	_ =	shalt  }
0x7c: {  	_ =	shalt  }
0x7d: {  	_ =	shalt  }
0x7e: {  	_ =	shalt  }
0x7f: {  	_ =	shalt  }
0x80: {  	_ =	shalt  }
0x81: {  	_ =	shalt  }
0x82: {  	_ =	shalt  }
0x83: {  	_ =	shalt  }
0x84: {  	_ =	shalt  }
0x85: {  	_ =	shalt  }
0x86: {  	_ =	shalt  }
0x87: {  	_ =	shalt  }
.Lfunc_end0:
.L_simem_size_0:
called_computation_lowered:
.L_overlay_start_0:
0x88: {  	s2 =	sld [smem:$0x3FD9]  }
0x89: {  	s3 =	sld [smem:$0x3FFE];
	_ =	sdelay $0x1  }
0x8a: {  	s1 =	srdreg.scid  }
0x8b: {  	s0 =	sand.u32 $0x1, s1  }
0x8c: {  	s17 =	sshll.u32 s0, $0xA;
	s2 =	sadd.s32 s3, s2  }
0x8d: {  	s2 =	sadd.s32 s2, s17  }
0x8e: {  	[smem:$0x3FC5] =	sst s2  }
0x8f: {  	_ = 	snop  }
0x90: {  	s2 =	sld [smem:$0x3FC8]  }
0x91: {  	s18 =	sld [smem:$0x3FC7]  }
0x92: {  	s4 =	sld [smem:$0x3FD0];
	(tm) =	ssettm $0x1  }
0x93: {  	s5 =	sld [smem:$0x3FFB];
	_ =	sdelay $0x3  }
0x94: {  	_ =	strace s5  }
0x95: {  	s5 =	sld [smem:$0x3FFC];
	_ =	sdelay $0x3  }
0x96: {  	_ =	strace s5  }
0x97: {  	s5 =	sld [smem:$0x3FFD];
	_ =	sdelay $0x3  }
0x98: {  	_ =	strace s5  }
0x99: {  	_ =	strace $0x8FFFFFFF  }
0x9a: {  	s19 =	sld [smem:$0x3FDB];
	_ =	sdelay $0x1  }
0x9b: {  	s6 =	simm.s32 $_scs_section_size  }
0x9c: {  	s7 =	simm.s32 $_size__tile_overlayer_lowered;
	s8 =	simm.s32 $_tile_overlayer_lowered  }
0x9d: {  	s22 =	simm.s32 $0x1BFF;
	s21 =	sshll.u32 s8, $0x1;
	s5 =	sadd.s32 s6, s19  }
0x9e: {  	s9 =	simm.s32 $0x0;
	s20 =	sshll.u32 s7, $0x1;
	s7 =	sadd.s32 s21, s5  }
0x9f: {  	[timem:s9], [sflag:s22] =	dma.local [hbm:s7], s20  }
0xa0: {  	_ =	swait.ge [sflag:s22], s20  }
0xa1: {  	s6 =	ssub.s32 $0x0, s20;
	[sflag:s22] =	ssyncset.done $0x0  }
0xa2: {  	[sflag:s22] =	ssyncadd.s32 s6;
	_ =	sdelay $0x1  }
0xa3: {  	s23 =	simm.s32 $0x1B8B  }
0xa4: {  	_ =	swait.ge [sflag:s23], $0x1  }
0xa5: {  	[sflag:s23] =	ssyncset.done $0x0  }
0xa6: {  	s25 =	simm.s32 $0x1B8E;
	s24 =	sld [smem:$0x3FFE];
	[sflag:s23] =	ssyncadd.s32 $0xFFFFFFFF  }
0xa7: {  	s26 =	simm.s32 $execute0_lowered;
	[smem:$0x3FD2] =	sst s25  }
0xa8: {  	s7 =	sshll.u32 s26, $0x1;
	_ =	strace $0x80000046;
	[dreg:$0x1] =	wrdreg $0xFFFFFFFF  }
0xa9: {  	s28 =	simm.s32 $_size_execute0_lowered;
	s5 =	sadd.s32 s5, s7;
	[dreg:$0x0] =	wrdreg $0x0  }
0xaa: {  	s7 =	sshll.u32 s28, $0x1;
	[dreg:$0x2] =	wrdreg s5  }
0xab: {  	[dreg:$0x3] =	wrdreg s7  }
0xac: {  	[dreg:$0x4] =	wrdreg $0xC0  }
0xad: {  	_ =	task [dreg:s9], $0x5FFFF  }
0xae: {  	[dreg:$0x1] =	wrdreg $0xFFFFFFFF  }
0xaf: {  	[dreg:$0x0] =	wrdreg $0x60  }
0xb0: {  	[dreg:$0x2] =	wrdreg s24  }
0xb1: {  	[dreg:$0x3] =	wrdreg s2  }
0xb2: {  	[dreg:$0x4] =	wrdreg s18  }
0xb3: {  	[dreg:$0x5] =	wrdreg s4  }
0xb4: {  	[dreg:$0x6] =	wrdreg $0x9  }
0xb5: {  	_ =	task.clear_ibuf [dreg:s9], $0x7FFFF;
	_ =	strace $0x90000046  }
0xb6: {  	s29 =	simm.s32 $0x9;
	_ =	strace $0x80000048  }
0xb7: {  	_ =	swait.ge [sflag:s29], $0x1  }
0xb8: {  	[sflag:s29] =	ssyncadd.s32 $0xFFFFFFFF  }
0xb9: {  	_ =	strace $0x90000048  }
0xba: {  	_ =	sfence  }
0xbb: {  	s30 =	sld [smem:$0x0];
	_ =	sdelay $0x2  }
0xbc: {  	s31 =	sshll.u32 s1, $0xD;
	s1 =	sshrl.u32 s1, $0x2  }
0xbd: {  	s3 =	sand.u32 $0x4000, s31;
	s1 =	sadd.s32 s1, s30  }
0xbe: {  	s0 =	sor.u32 s3, s0;
	s1 =	sshll.u32 s1, $0x11  }
0xbf: {  	s0 =	sor.u32 s1, s0  }
0xc0: {  	s0 =	sadd.s32 $0x8F2B, s0  }
0xc1: {  	[sflag:s0] =	ssyncadd.remote.s32 $0x1  }
0xc2: {  	_ =	sfence.sel $0xFFFF  }
0xc3: {  	[dreg:$0x0] =	wrdreg $0xFFFFFFFF;
	(pc) =	sbr.abs _section_cstart, $3  }
0xc4: {  	[dreg:$0x1] =	wrdreg $0xFFFFFFFF  }
0xc5: {  	_ =	task.clear_ibuf [dreg:s9], $0x2FFFF;
	_ =	strace $0x9FFFFFFF  }
0xc6: {  	(tm) =	ssettm $0x7FFFFFFF  }
0xc7: {  	_ =	shalt  }
tec
execute0_lowered:
.L_overlay_start_1:
0x0: {  	(tag) =	ssettag $0x1  }
0x1: {  	s5 =	rddreg [dreg:$0x0]  }
0x2: {  	s2 =	rddreg [dreg:$0x1]  }
0x3: {  	s3 =	rddreg [dreg:$0x2];
	s0 =	srdreg.scid  }
0x4: {  	s8 =	rddreg [dreg:$0x3];
	s1 =	stileid.u32;
	s4 =	simm.s32 $0x0  }
0x5: {  	s11 =	simm.s32 $0x400;
	s12 =	simm.s32 $0x3;
	s13 =	simm.s32 $0x40  }
0x6: {  	v0 =	vlaneseq.u32;
	s14 =	simm.s32 $0x600;
	s15 =	simm.s32 $0x4600;
	s16 =	simm.s32 $0x8600  }
0x7: {  	s17 =	simm.s32 $0xC600;
	s18 =	simm.s32 $0xC700;
	s19 =	simm.s32 $0x4;
	v0 =	vmul.u32 $0x10, v0  }
0x8: {  	s20 =	simm.s32 $0x0;
	s6 =	sand.u32 $0x1, s0;
	s0 =	rddreg [dreg:$0x4]  }
0x9: {  	s7 =	sshll.u32 s1, $0x7;
	s9 =	sshll.u32 s6, $0x6;
	s6 =	ssub.s32 $0x2, s6;
	v1 =	vor.u32 $0x1, v0;
	v2 =	vor.u32 $0x2, v0;
	v3 =	vor.u32 $0x3, v0  }
0xa: {  	[smem:$0x7FF] =	sst s4;
	s9 =	sor.u32 s9, s7;
	s31 =	sshrl.u32 s6, $0x1;
	v4 =	vor.u32 $0x4, v0;
	v5 =	vor.u32 $0x5, v0;
	v6 =	vor.u32 $0x6, v0  }
0xb: {  	_ =	strace $0x80000047;
	v7 =	vor.u32 $0x7, v0;
	v8 =	vor.u32 $0x8, v0;
	v9 =	vor.u32 $0x9, v0;
	s7 =	sadd.s32 s9, s5;
	s10 =	ssub.s32 s6, s31  }
0xc: {  	v10 =	vor.u32 $0xA, v0;
	v11 =	vor.u32 $0xB, v0;
	v12 =	vor.u32 $0xC, v0;
	s8 =	sadd.s32 s8, s9;
	s5 =	sadd.s32 $0x1600, s7;
	s6 =	sadd.s32 $0xE00, s7  }
0xd: {  	v13 =	vor.u32 $0xD, v0;
	v14 =	vor.u32 $0xE, v0;
	v15 =	vor.u32 $0xF, v0;
	s7 =	sadd.s32 $0x600, s7;
	s9 =	smax.u32 s10, $0x1;
	s10 =	simm.s32 $0x200  }
.LBB2_1:
0xe: {  	[tilespmem:s4], [sflag:$0x3] =	stream.linear.gather [hbm4b:s5+s4], $0x200, $0x38;
	[tilespmem:$0xC900] =	vst v63  }
0xf: {  	_ = 	snop  }
0x10: {  	[tilespmem:s10], [sflag:$0x3] =	stream.linear.gather [hbm4b:s6+s4], $0x200, $0x38;
	[tilespmem:$0xC900] =	vst v63  }
0x11: {  	_ = 	snop  }
0x12: {  	[tilespmem:s11], [sflag:$0x3] =	stream.linear.gather [hbm4b:s7+s4], $0x200, $0x38;
	[tilespmem:$0xC900] =	vst v63  }
0x13: {  	_ =	swait.ge [sflag:s12], $0x200  }
0x14: {  	[sflag:s12] =	ssyncset.done $0x0  }
0x15: {  	[sflag:s12] =	ssyncadd.s32 $0xFFFFFE00  }
0x16: {  	_ =	swait.ge [sflag:s12], $0x200  }
0x17: {  	[sflag:s12] =	ssyncset.done $0x0  }
0x18: {  	[sflag:s12] =	ssyncadd.s32 $0xFFFFFE00  }
0x19: {  	_ =	swait.ge [sflag:s12], $0x200  }
0x1a: {  	[sflag:s12] =	ssyncset.done $0x0  }
0x1b: {  	[sflag:s12] =	ssyncadd.s32 $0xFFFFFE00  }
0x1c: {  	[tilespmem:s14], [sflag:$0x1] =	stream.indirect.gather [hbm4b:s2+s13], $0x80, s4, s13, $0xb8;
	[tilespmem:$0xC900] =	vst v63  }
0x1d: {  	_ = 	snop  }
0x1e: {  	[tilespmem:s15], [sflag:$0x1] =	stream.indirect.gather [hbm4b:s3+s13], $0x80, s10, s13, $0xb8;
	[tilespmem:$0xC900] =	vst v63  }
0x1f: {  	p0 =	por $0x0, $0x0;
	s21 =	simm.s32 $0x0  }
0x20: {  	[tilespmem:s16], [sflag:$0x1] =	stream.indirect.gather [hbm4b:s2+s13], $0x80, s11, s13, $0xb8;
	[tilespmem:$0xC900] =	vst v63  }
.LBB2_3:
0x21: {  	s22 =	smov.u32 s21  }
0x22: {  	s21 =	sadd.s32 $0x1, s21;
	p1 =	seq.s32 s22, $0x7  }
0x23: {  	s23 =	sand.u32 @!p1 $0x1, s21  }
0x24: {  	s24 =	sshll.u32 @!p1 s21, $0x6;
	s25 =	sshll.u32 @!p1 s23, $0xD  }
0x25: {  	s28 =	simm.s32 @!p1 $0x40;
	s23 =	sadd.s32 @!p1 $0x1, s23;
	s26 =	sor.u32 @!p1 $0x600, s25  }
0x26: {  	[tilespmem:s26], [sflag:s23] =	stream.indirect.gather @!p1 [hbm4b:s2+s28], $0x80, s24, s28, $0xb8;
	[tilespmem:$0xC900] =	vst v63  }
0x27: {  	s29 =	sadd.s32 @!p1 $0x200, s24;
	s26 =	sor.u32 @!p1 $0x4600, s25  }
0x28: {  	[tilespmem:s26], [sflag:s23] =	stream.indirect.gather @!p1 [hbm4b:s3+s28], $0x80, s29, s28, $0xb8;
	[tilespmem:$0xC900] =	vst v63  }
0x29: {  	s31 =	sand.u32 $0x1, s22;
	s25 =	sor.u32 @!p1 $0x8600, s25;
	s24 =	sadd.s32 @!p1 $0x400, s24  }
0x2a: {  	[tilespmem:s25], [sflag:s23] =	stream.indirect.gather @!p1 [hbm4b:s2+s28], $0x80, s24, s28, $0xb8;
	[tilespmem:$0xC900] =	vst v63  }
0x2b: {  	s28 =	sadd.s32 $0x1, s31  }
0x2c: {  	_ =	swait.ge [sflag:s28], $0x2000  }
0x2d: {  	[sflag:s28] =	ssyncset.done $0x0  }
0x2e: {  	[sflag:s28] =	ssyncadd.s32 $0xFFFFE000  }
0x2f: {  	_ =	swait.ge [sflag:s28], $0x2000  }
0x30: {  	s30 =	sshll.u32 s22, $0x6;
	s23 =	simm.s32 $0x1;
	[sflag:s28] =	ssyncset.done $0x0  }
0x31: {  	s31 =	sand.u32 $0x3FFFFFC0, s30;
	s23 =	simm.s32 @!p0 $0x0;
	[sflag:s28] =	ssyncadd.s32 $0xFFFFE000  }
0x32: {  	s25 =	simm.s32 $0x0;
	s29 =	sshll.u32 s23, $0xD;
	_ =	swait.ge [sflag:s28], $0x2000  }
0x33: {  	s26 =	sadd.s32 $0xC700, s31;
	s22 =	sor.u32 $0x640, s29;
	[sflag:s28] =	ssyncset.done $0x0  }
0x34: {  	v16 =	vmov s26;
	s23 =	sor.u32 $0x4670, s29;
	s24 =	sor.u32 $0x8670, s29;
	[sflag:s28] =	ssyncadd.s32 $0xFFFFE000  }
.LBB2_4:
0x35: {  	v17 =	vmov s24;
	_ =	sdelay $0x3  }
0x36: {  	v18 =	vmov s22;
	s26 =	simm.s32 $0x0  }
0x37: {  	v20 =	vld.idx.msk [tilespmem:v17+s26+$0xFFFFFFF0 ss:$0x1], $0xffff  }
0x38: {  	v21 =	vld.idx.msk [tilespmem:v17+s26+$0xFFFFFFE0 ss:$0x1], $0xffff  }
0x39: {  	v19 =	vmov s23;
	v22 =	vld.idx.msk [tilespmem:v17+s26+$0xFFFFFFD0 ss:$0x1], $0xffff  }
0x3a: {  	v23 =	vld.idx.msk [tilespmem:v17+s26+$0xFFFFFFC0 ss:$0x1], $0xffff  }
0x3b: {  	v24 =	vld.idx.msk [tilespmem:v18+s26+$0xFFFFFFF0 ss:$0x1], $0xffff  }
0x3c: {  	v25 =	vld.idx.msk [tilespmem:v17+s26+$0xFFFFFF90 ss:$0x1], $0xffff  }
0x3d: {  	v26 =	vld.idx.msk [tilespmem:v18+s26+$0xFFFFFFE0 ss:$0x1], $0xffff  }
0x3e: {  	v27 =	vld.idx.msk [tilespmem:v19+s26+$0xFFFFFF90 ss:$0x1], $0xffff  }
0x3f: {  	v28 =	vld.idx.msk [tilespmem:v18+s26+$0xFFFFFFC0 ss:$0x1], $0xffff  }
0x40: {  	v29 =	vld.idx.msk [tilespmem:v18+s26+$0xFFFFFFD0 ss:$0x1], $0xffff  }
0x41: {  	v30 =	vld.idx.msk [tilespmem:v19+s26+$0xFFFFFFA0 ss:$0x1], $0xffff  }
0x42: {  	v31 =	vld.idx.msk [tilespmem:v19+s26+$0xFFFFFFB0 ss:$0x1], $0xffff  }
0x43: {  	v32 =	vld.idx.msk [tilespmem:v17+s26+$0xFFFFFFA0 ss:$0x1], $0xffff  }
0x44: {  	v33 =	vld.idx.msk [tilespmem:v19+s26+$0xFFFFFFC0 ss:$0x1], $0xffff  }
0x45: {  	v34 =	vld.idx.msk [tilespmem:v17+s26+$0xFFFFFFB0 ss:$0x1], $0xffff  }
0x46: {  	v35 =	vld.idx.msk [tilespmem:v18+s26+$0x0 ss:$0x1], $0xffff;
	v27 =	vadd.f32 v27, v28;
	v28 =	vadd.f32 v30, v29  }
0x47: {  	v29 =	vld.idx.msk [tilespmem:v19+s26+$0xFFFFFFD0 ss:$0x1], $0xffff;
	v26 =	vadd.f32 v31, v26  }
0x48: {  	v30 =	vld.idx.msk [tilespmem:v18+s26+$0x10 ss:$0x1], $0xffff;
	v25 =	vsub.f32 v27, v25;
	v27 =	vsub.f32 v28, v32  }
0x49: {  	v24 =	vadd.f32 v33, v24;
	v28 =	vld.idx.msk [tilespmem:v19+s26+$0xFFFFFFE0 ss:$0x1], $0xffff  }
0x4a: {  	v63 =	vld.idx.msk [tilespmem:v19+s26+$0xFFFFFFF0 ss:$0x1], $0xffff;
	v26 =	vsub.f32 v26, v34;
	v25 =	vand.u32 $0x7FFFFFFF, v25;
	v27 =	vand.u32 $0x7FFFFFFF, v27  }
0x4b: {  	v31 =	vld.idx.msk [tilespmem:v18+s26+$0x20 ss:$0x1], $0xffff;
	v25 =	vadd.f32 v27, v25  }
0x4c: {  	v23 =	vsub.f32 v24, v23;
	v26 =	vand.u32 $0x7FFFFFFF, v26;
	v27 =	vld.idx.msk [tilespmem:v18+s26+$0x30 ss:$0x1], $0xffff;
	v24 =	vadd.f32 v29, v35  }
0x4d: {  	v29 =	vld.idx.msk [tilespmem:v19+s26+$0x0 ss:$0x1], $0xffff;
	v25 =	vadd.f32 v26, v25  }
0x4e: {  	v23 =	vand.u32 $0x7FFFFFFF, v23;
	v22 =	vsub.f32 v24, v22;
	v24 =	vadd.f32 v28, v30  }
0x4f: {  	v26 =	vld.idx.msk [tilespmem:v17+s26+$0x0 ss:$0x1], $0xffff;
	v23 =	vadd.f32 v23, v25  }
0x50: {  	v22 =	vand.u32 $0x7FFFFFFF, v22;
	v21 =	vsub.f32 v24, v21;
	v24 =	vadd.f32 v63, v31  }
0x51: {  	v22 =	vadd.f32 v22, v23  }
0x52: {  	v21 =	vand.u32 $0x7FFFFFFF, v21;
	v20 =	vsub.f32 v24, v20;
	v23 =	vadd.f32 v29, v27  }
0x53: {  	v21 =	vadd.f32 v21, v22  }
0x54: {  	v20 =	vand.u32 $0x7FFFFFFF, v20;
	v22 =	vsub.f32 v23, v26  }
0x55: {  	v20 =	vadd.f32 v20, v21  }
0x56: {  	v21 =	vand.u32 $0x7FFFFFFF, v22  }
0x57: {  	v20 =	vadd.f32 v21, v20  }
0x58: {  	s28 =	simm.s32 $0xC600  }
0x59: {  	s29 =	simm.s32 $0x80;
	[tilespmem:s28+$0x0] =	vst v20  }
0x5a: {  	v20 =	vld.idx.msk [tilespmem:v17+s29+$0xFFFFFFF0 ss:$0x1], $0xffff  }
0x5b: {  	v21 =	vld.idx.msk [tilespmem:v17+s29+$0xFFFFFFE0 ss:$0x1], $0xffff  }
0x5c: {  	v22 =	vld.idx.msk [tilespmem:v17+s29+$0xFFFFFFD0 ss:$0x1], $0xffff  }
0x5d: {  	v23 =	vld.idx.msk [tilespmem:v17+s29+$0xFFFFFFC0 ss:$0x1], $0xffff  }
0x5e: {  	v24 =	vld.idx.msk [tilespmem:v18+s29+$0xFFFFFFF0 ss:$0x1], $0xffff  }
0x5f: {  	v25 =	vld.idx.msk [tilespmem:v17+s29+$0xFFFFFF90 ss:$0x1], $0xffff  }
0x60: {  	v26 =	vld.idx.msk [tilespmem:v18+s29+$0xFFFFFFE0 ss:$0x1], $0xffff  }
0x61: {  	v27 =	vld.idx.msk [tilespmem:v19+s29+$0xFFFFFF90 ss:$0x1], $0xffff  }
0x62: {  	v28 =	vld.idx.msk [tilespmem:v18+s29+$0xFFFFFFC0 ss:$0x1], $0xffff  }
0x63: {  	s30 =	simm.s32 $0x400;
	s26 =	sshll.u32 s25, $0x4;
	v29 =	vld.idx.msk [tilespmem:v18+s29+$0xFFFFFFD0 ss:$0x1], $0xffff  }
.LBB2_5:
0x64: {  	p1 =	sne.s32 s30, $0x1E00;
	v30 =	vld.idx.msk [tilespmem:v19+s29+$0xFFFFFFA0 ss:$0x1], $0xffff  }
0x65: {  	v31 =	vld.idx.msk [tilespmem:v19+s29+$0xFFFFFFB0 ss:$0x1], $0xffff  }
0x66: {  	v32 =	vld.idx.msk [tilespmem:v17+s29+$0xFFFFFFA0 ss:$0x1], $0xffff  }
0x67: {  	v33 =	vld.idx.msk [tilespmem:v19+s29+$0xFFFFFFC0 ss:$0x1], $0xffff  }
0x68: {  	v34 =	vld.idx.msk [tilespmem:v17+s29+$0xFFFFFFB0 ss:$0x1], $0xffff  }
0x69: {  	v35 =	vld.idx.msk [tilespmem:v18+s29+$0x0 ss:$0x1], $0xffff  }
0x6a: {  	v27 =	vadd.f32 v27, v28;
	v28 =	vadd.f32 v30, v29;
	v29 =	vld.idx.msk [tilespmem:v19+s29+$0xFFFFFFD0 ss:$0x1], $0xffff  }
0x6b: {  	v26 =	vadd.f32 v31, v26;
	v30 =	vld.idx.msk [tilespmem:v18+s29+$0x10 ss:$0x1], $0xffff  }
0x6c: {  	v25 =	vsub.f32 v27, v25;
	v27 =	vsub.f32 v28, v32;
	v28 =	vld.idx.msk [tilespmem:v19+s29+$0xFFFFFFE0 ss:$0x1], $0xffff  }
0x6d: {  	v24 =	vadd.f32 v33, v24;
	v31 =	vld.idx.msk [tilespmem:v18+s29+$0x20 ss:$0x1], $0xffff  }
0x6e: {  	v25 =	vand.u32 $0x7FFFFFFF, v25;
	v27 =	vand.u32 $0x7FFFFFFF, v27;
	v26 =	vsub.f32 v26, v34;
	v32 =	vld.idx.msk [tilespmem:v19+s29+$0xFFFFFFF0 ss:$0x1], $0xffff  }
0x6f: {  	v25 =	vadd.f32 v27, v25;
	v27 =	vld.idx.msk [tilespmem:v18+s29+$0x30 ss:$0x1], $0xffff  }
0x70: {  	v23 =	vsub.f32 v24, v23;
	v26 =	vand.u32 $0x7FFFFFFF, v26;
	v24 =	vadd.f32 v29, v35;
	v29 =	vld.idx.msk [tilespmem:v19+s29+$0x0 ss:$0x1], $0xffff  }
0x71: {  	v25 =	vadd.f32 v26, v25  }
0x72: {  	v23 =	vand.u32 $0x7FFFFFFF, v23;
	v22 =	vsub.f32 v24, v22;
	v24 =	vadd.f32 v28, v30;
	v26 =	vld.idx.msk [tilespmem:v17+s29+$0x0 ss:$0x1], $0xffff  }
0x73: {  	v23 =	vadd.f32 v23, v25  }
0x74: {  	v22 =	vand.u32 $0x7FFFFFFF, v22;
	v21 =	vsub.f32 v24, v21;
	v24 =	vadd.f32 v32, v31  }
0x75: {  	v22 =	vadd.f32 v22, v23  }
0x76: {  	v21 =	vand.u32 $0x7FFFFFFF, v21;
	v20 =	vsub.f32 v24, v20;
	v23 =	vadd.f32 v29, v27  }
0x77: {  	v21 =	vadd.f32 v21, v22  }
0x78: {  	v20 =	vand.u32 $0x7FFFFFFF, v20;
	v22 =	vsub.f32 v23, v26  }
0x79: {  	v20 =	vadd.f32 v20, v21  }
0x7a: {  	v21 =	vand.u32 $0x7FFFFFFF, v22  }
0x7b: {  	v20 =	vadd.f32 v21, v20  }
0x7c: {  	s28 =	sadd.s32 $0x10, s28  }
0x7d: {  	s29 =	sshra.s32 s30, $0x2;
	[tilespmem:s28+$0x0] =	vst v20  }
0x7e: {  	v20 =	vld.idx.msk [tilespmem:v17+s29+$0xFFFFFFF0 ss:$0x1], $0xffff  }
0x7f: {  	v21 =	vld.idx.msk [tilespmem:v17+s29+$0xFFFFFFE0 ss:$0x1], $0xffff  }
0x80: {  	v22 =	vld.idx.msk [tilespmem:v17+s29+$0xFFFFFFD0 ss:$0x1], $0xffff  }
0x81: {  	v23 =	vld.idx.msk [tilespmem:v17+s29+$0xFFFFFFC0 ss:$0x1], $0xffff  }
0x82: {  	v24 =	vld.idx.msk [tilespmem:v18+s29+$0xFFFFFFF0 ss:$0x1], $0xffff  }
.Ltmp0:
0x83: {  	v25 =	vld.idx.msk [tilespmem:v17+s29+$0xFFFFFF90 ss:$0x1], $0xffff;
	(pc) =	sbr.rel @p1 .LBB2_5-.Ltmp0, $4  }
0x84: {  	v26 =	vld.idx.msk [tilespmem:v18+s29+$0xFFFFFFE0 ss:$0x1], $0xffff  }
0x85: {  	v27 =	vld.idx.msk [tilespmem:v19+s29+$0xFFFFFF90 ss:$0x1], $0xffff  }
0x86: {  	v28 =	vld.idx.msk [tilespmem:v18+s29+$0xFFFFFFC0 ss:$0x1], $0xffff  }
0x87: {  	s30 =	sadd.s32 $0x200, s30;
	v29 =	vld.idx.msk [tilespmem:v18+s29+$0xFFFFFFD0 ss:$0x1], $0xffff  }
0x88: {  	_ =	sdelay $0x3  }
0x89: {  	v30 =	vld.idx.msk [tilespmem:v19+s29+$0xFFFFFFA0 ss:$0x1], $0xffff  }
0x8a: {  	v31 =	vld.idx.msk [tilespmem:v19+s29+$0xFFFFFFB0 ss:$0x1], $0xffff  }
0x8b: {  	v32 =	vld.idx.msk [tilespmem:v17+s29+$0xFFFFFFA0 ss:$0x1], $0xffff  }
0x8c: {  	v33 =	vld.idx.msk [tilespmem:v19+s29+$0xFFFFFFC0 ss:$0x1], $0xffff  }
0x8d: {  	v34 =	vld.idx.msk [tilespmem:v17+s29+$0xFFFFFFB0 ss:$0x1], $0xffff  }
0x8e: {  	v35 =	vld.idx.msk [tilespmem:v18+s29+$0x0 ss:$0x1], $0xffff;
	v27 =	vadd.f32 v27, v28;
	v49 =	vadd.f32 v30, v29  }
0x8f: {  	v50 =	vld.idx.msk [tilespmem:v19+s29+$0xFFFFFFD0 ss:$0x1], $0xffff;
	v26 =	vadd.f32 v31, v26  }
0x90: {  	v51 =	vld.idx.msk [tilespmem:v18+s29+$0x10 ss:$0x1], $0xffff;
	v25 =	vsub.f32 v27, v25;
	v52 =	vsub.f32 v49, v32  }
0x91: {  	v53 =	vld.idx.msk [tilespmem:v19+s29+$0xFFFFFFE0 ss:$0x1], $0xffff;
	v24 =	vadd.f32 v33, v24  }
0x92: {  	v54 =	vld.idx.msk [tilespmem:v18+s29+$0x20 ss:$0x1], $0xffff;
	v25 =	vand.u32 $0x7FFFFFFF, v25;
	v26 =	vsub.f32 v26, v34;
	v27 =	vand.u32 $0x7FFFFFFF, v52  }
0x93: {  	v55 =	vld.idx.msk [tilespmem:v19+s29+$0xFFFFFFF0 ss:$0x1], $0xffff;
	v25 =	vadd.f32 v27, v25  }
0x94: {  	v18 =	vld.idx.msk [tilespmem:v18+s29+$0x30 ss:$0x1], $0xffff;
	v56 =	vadd.f32 v50, v35;
	v23 =	vsub.f32 v24, v23;
	v26 =	vand.u32 $0x7FFFFFFF, v26  }
0x95: {  	v19 =	vld.idx.msk [tilespmem:v19+s29+$0x0 ss:$0x1], $0xffff;
	v25 =	vadd.f32 v26, v25  }
0x96: {  	v57 =	vadd.f32 v53, v51;
	v22 =	vsub.f32 v56, v22;
	v23 =	vand.u32 $0x7FFFFFFF, v23  }
0x97: {  	v17 =	vld.idx.msk [tilespmem:v17+s29+$0x0 ss:$0x1], $0xffff;
	v23 =	vadd.f32 v23, v25  }
0x98: {  	v58 =	vadd.f32 v55, v54;
	v21 =	vsub.f32 v57, v21;
	v22 =	vand.u32 $0x7FFFFFFF, v22  }
0x99: {  	v22 =	vadd.f32 v22, v23  }
0x9a: {  	v18 =	vadd.f32 v19, v18;
	v20 =	vsub.f32 v58, v20;
	v21 =	vand.u32 $0x7FFFFFFF, v21  }
0x9b: {  	v19 =	vadd.f32 v21, v22  }
0x9c: {  	v17 =	vsub.f32 v18, v17;
	v20 =	vand.u32 $0x7FFFFFFF, v20  }
0x9d: {  	v18 =	vadd.f32 v20, v19  }
0x9e: {  	v17 =	vand.u32 $0x7FFFFFFF, v17  }
0x9f: {  	v17 =	vadd.f32 v17, v18  }
0xa0: {  	s28 =	sadd.s32 $0x10, s28  }
0xa1: {  	[tilespmem:s28+$0x0] =	vst v17  }
0xa2: {  	v17 =	vld.idx.msk [tilespmem:v0+s17+$0x0], $0xffff;
	_ =	sdelay $0x1  }
0xa3: {  	v18 =	vld.idx.msk [tilespmem:v1+s17+$0x0], $0xffff;
	_ =	sdelay $0x1  }
0xa4: {  	v19 =	vld.idx.msk [tilespmem:v2+s17+$0x0], $0xffff  }
0xa5: {  	v17 =	vadd.f32 $0.0e+00, v17  }
0xa6: {  	v59 =	vld.idx.msk [tilespmem:v3+s17+$0x0], $0xffff  }
0xa7: {  	v17 =	vadd.f32 v18, v17  }
0xa8: {  	v18 =	vld.idx.msk [tilespmem:v4+s17+$0x0], $0xffff  }
0xa9: {  	v17 =	vadd.f32 v19, v17  }
0xaa: {  	v19 =	vld.idx.msk [tilespmem:v5+s17+$0x0], $0xffff  }
0xab: {  	v17 =	vadd.f32 v59, v17  }
0xac: {  	v60 =	vld.idx.msk [tilespmem:v6+s17+$0x0], $0xffff  }
0xad: {  	v17 =	vadd.f32 v18, v17  }
0xae: {  	v18 =	vld.idx.msk [tilespmem:v7+s17+$0x0], $0xffff  }
0xaf: {  	v17 =	vadd.f32 v19, v17  }
0xb0: {  	v19 =	vld.idx.msk [tilespmem:v8+s17+$0x0], $0xffff  }
0xb1: {  	v17 =	vadd.f32 v60, v17  }
0xb2: {  	v61 =	vld.idx.msk [tilespmem:v9+s17+$0x0], $0xffff  }
0xb3: {  	v17 =	vadd.f32 v18, v17  }
0xb4: {  	v18 =	vld.idx.msk [tilespmem:v10+s17+$0x0], $0xffff  }
0xb5: {  	v17 =	vadd.f32 v19, v17  }
0xb6: {  	v19 =	vld.idx.msk [tilespmem:v11+s17+$0x0], $0xffff  }
0xb7: {  	v17 =	vadd.f32 v61, v17  }
0xb8: {  	v62 =	vld.idx.msk [tilespmem:v12+s17+$0x0], $0xffff  }
0xb9: {  	v17 =	vadd.f32 v18, v17  }
0xba: {  	v18 =	vld.idx.msk [tilespmem:v13+s17+$0x0], $0xffff  }
0xbb: {  	v17 =	vadd.f32 v19, v17  }
0xbc: {  	v19 =	vld.idx.msk [tilespmem:v14+s17+$0x0], $0xffff  }
0xbd: {  	v17 =	vadd.f32 v62, v17  }
0xbe: {  	v63 =	vld.idx.msk [tilespmem:v15+s17+$0x0], $0xffff  }
0xbf: {  	v17 =	vadd.f32 v18, v17;
	_ =	sdelay $0x1  }
0xc0: {  	s25 =	sadd.s32 $0x1, s25;
	v17 =	vadd.f32 v19, v17  }
0xc1: {  	p1 =	seq.s32 s25, $0x4  }
.Ltmp1:
0xc2: {  	v17 =	vadd.f32 v63, v17;
	(pc) =	sbr.rel @!p1 .LBB2_4-.Ltmp1, $3  }
0xc3: {  	_ = 	snop  }
0xc4: {  	v17 =	vsub.f32 $1.200000000e+01, v17;
	_ =	sdelay $0x1  }
0xc5: {  	s22 =	sadd.s32 $0x800, s22;
	s23 =	sadd.s32 $0x800, s23;
	s24 =	sadd.s32 $0x800, s24;
	[tilespmem:v16+s26+$0x0 ss:$0x1] =	vst.idx.msk $0xffff, v17  }
0xc6: {  	p1 =	seq.s32 s21, $0x8  }
.Ltmp2:
0xc7: {  	_ = 	snop;
	(pc) =	sbr.rel @!p1 .LBB2_3-.Ltmp2, $2  }
0xc8: {  	_ =	sdelay $0x2  }
0xc9: {  	p0 =	por !p0, !p0  }
0xca: {  	s20 =	sadd.s32 $0x1, s20  }
0xcb: {  	p0 =	sne.s32 s20, s9  }
.Ltmp3:
0xcc: {  	_ = 	snop;
	(pc) =	sbr.rel @p0 .LBB2_1-.Ltmp3, $4  }
0xcd: {  	[hbm4b:s8+s4] =	stream.linear.scatter [tilespmem:s18], [sflag:$0x4], $0x200, $0x38;
	[tilespmem:$0xC900] =	vst v63  }
0xce: {  	_ =	swait.ge [sflag:s19], $0x200  }
0xcf: {  	[sflag:s19] =	ssyncset.done $0x0  }
0xd0: {  	[sflag:s19] =	ssyncadd.s32 $0xFFFFFE00  }
0xd1: {  	_ =	sfence.sel $0x180000  }
0xd2: {  	[bflag:$0x0] =	sbarrier.arrive $0xFFFF  }
0xd3: {  	p0 =	sne.s32 s1, $0x0;
	_ =	strace $0x90000047  }
0xd4: {  	s0 =	sadd.s32 @!p0 $0x100000, s0;
	[bflag:$0x2] =	sbarrier.arrive $0xFFFF  }
0xd5: {  	[sflag:s0] =	ssyncadd.tile.s32 @!p0 $0x1;
	_ =	shalt  }
.Lfunc_end2:
_tile_overlayer_lowered:
.L_overlay_start_2:
0xd6: {  	(tag) =	ssettag $0x2  }
0xd7: {  	s0 =	rddreg [dreg:$0x0];
	s2 =	stileid.u32  }
0xd8: {  	s1 =	rddreg [dreg:$0x1];
	p0 =	sne.s32 s2, $0x0  }
0xd9: {  	s3 =	rddreg [dreg:$0x2];
	[bflag:$0x3] =	sbarrier.arrive $0xFFFF;
	s2 =	simm.s32 @!p0 $0x1C04  }
0xda: {  	[timem:s3], [sflag:s2] =	dma.local @!p0 [hbm:s0], s1  }
0xdb: {  	s0 =	simm.s32 @!p0 $0x4  }
0xdc: {  	_ =	swait.ge @!p0 [sflag:s0], s1  }
0xdd: {  	s1 =	ssub.s32 @!p0 $0x0, s1;
	[sflag:s0] =	ssyncset.done @!p0 $0x0  }
0xde: {  	[sflag:s0] =	ssyncadd.s32 @!p0 s1  }
0xdf: {  	[bflag:$0x3] =	sbarrier.arrive $0xFFFF  }
0xe0: {  	_ =	shalt  }

</sc_bundles>
